<compile_context>
chip_gen: v7x
topology: tpu7x:2x2x1
jax: 0.10.2.dev20260603
libtpu: 0.0.44.dev20260713+nightly
codegen_flags: <defaults>
</compile_context>

<pallas_src>
import functools

import jax
import jax.numpy as jnp
from jax import lax
from jax.experimental import pallas as pl
from jax.experimental.pallas import tpu as pltpu
from jax.experimental.pallas import tpu_sc as plsc

_D = 128
_B = 4096
_S = 200
_NC = 2
_NS = 16
_NW = _NC * _NS
_BPW = _B // _NW
_C1 = 104
_C2 = _S - _C1


def _make_pool():
    mesh = plsc.VectorSubcoreMesh(core_axis_name="c", subcore_axis_name="s")

    @functools.partial(
        pl.kernel,
        mesh=mesh,
        out_type=jax.ShapeDtypeStruct((_B, _D), jnp.float32),
        scratch_types=[
            pltpu.VMEM((_BPW * _S,), jnp.int32),
            pltpu.VMEM((_S, _D), jnp.float32),
            pltpu.VMEM((_S, _D), jnp.float32),
            pltpu.VMEM((_BPW, _D), jnp.float32),
            pltpu.SemaphoreType.DMA,
            pltpu.SemaphoreType.DMA,
        ],
    )
    def pool(xflat, embed, out, idx_v, rows0, rows1, m_v, sem0, sem1):
        wid = lax.axis_index("s") * _NC + lax.axis_index("c")
        base = wid * _BPW
        pltpu.sync_copy(xflat.at[pl.ds(base * _S, _BPW * _S)], idx_v)

        def start(b, rows, sem):
            off = pl.multiple_of(b * _S, 8)
            pltpu.async_copy(
                embed.at[idx_v.at[pl.ds(off, _C1)]], rows.at[pl.ds(0, _C1)], sem)
            pltpu.async_copy(
                embed.at[idx_v.at[pl.ds(off + _C1, _C2)]], rows.at[pl.ds(_C1, _C2)], sem)

        def wait(rows, sem):
            pltpu.make_async_copy(embed.at[pl.ds(0, _S)], rows, sem).wait()

        def accumulate(rows, b):
            def srow(s4, accs):
                s0 = s4 * 4
                for dr in range(4):
                    accs = tuple(
                        accs[j] + rows[s0 + dr, pl.ds(j * 16, 16)] for j in range(8))
                return accs

            accs = lax.fori_loop(
                0, _S // 4, srow, tuple(jnp.zeros((16,), jnp.float32) for _ in range(8)))
            for j in range(8):
                m_v[b, pl.ds(j * 16, 16)] = accs[j]

        start(0, rows0, sem0)
        start(1, rows1, sem1)
        bufs = ((rows0, sem0), (rows1, sem1))

        def body(i, carry):
            for k in range(2):
                b = 2 * i + k
                rows, sem = bufs[k]
                wait(rows, sem)
                accumulate(rows, b)

                @pl.when(b + 2 < _BPW)
                def _():
                    start(b + 2, rows, sem)
            return carry

        lax.fori_loop(0, _BPW // 2, body, 0)
        pltpu.sync_copy(m_v, out.at[pl.ds(base, _BPW)])

    return pool


_pool = _make_pool()


def _mlp_body(m_ref, w1_ref, b1_ref, g_ref, be_ref, w2_ref, b2_ref, out_ref):
    m = m_ref[...] * (1.0 / _S)
    h = lax.dot_general(m, w1_ref[...], (((1,), (1,)), ((), ())),
                        preferred_element_type=jnp.float32) + b1_ref[...][None, :]
    mu = jnp.mean(h, axis=0)
    var = jnp.mean(jnp.square(h - mu), axis=0)
    hn = (h - mu) * lax.rsqrt(var + 1e-5) * g_ref[...][None, :] + be_ref[...][None, :]
    a = jnp.maximum(hn, 0.0)
    out_ref[...] = lax.dot_general(a, w2_ref[...], (((1,), (1,)), ((), ())),
                                   preferred_element_type=jnp.float32) + b2_ref[...][None, :]


@jax.jit
def kernel(X, embed, W1, b1, gamma, beta, W2, b2):
    msum = _pool(X.reshape(-1).astype(jnp.int32), embed)
    out = pl.pallas_call(
        _mlp_body,
        out_shape=jax.ShapeDtypeStruct((_B, W2.shape[0]), jnp.float32),
    )(msum, W1, b1, gamma, beta, W2, b2)
    return out

# --- scband reference (transcript-rebuilt; emitter-appended) ---
"""Pipeline reference for scband-fast-text-12060268167460 (READ-ONLY COPY).

The authoritative reference and input builder live on the scoring server;
editing this copy changes nothing except your own understanding.
"""

import jax, jax.numpy as jnp
import numpy as np

VOCAB = 100000
VEC_DIM = 128
HIDDEN = 256
LABELS = 16
BATCH = 4096
SEQ = 200

def setup_inputs(seed: int = 0) -> dict:
    key = jax.random.key(seed)
    k1, k2, k3, k4 = jax.random.split(key, 4)
    X = jax.random.randint(k1, (BATCH, SEQ), 0, VOCAB, dtype=jnp.int64 if jax.config.jax_enable_x64 else jnp.int32)
    embed = jax.random.normal(k2, (VOCAB, VEC_DIM), dtype=jnp.float32) * 0.02
    W1 = jax.random.normal(k3, (HIDDEN, VEC_DIM), dtype=jnp.float32) * 0.05
    b1 = jnp.zeros((HIDDEN,), dtype=jnp.float32)
    gamma = jnp.ones((HIDDEN,), dtype=jnp.float32)
    beta = jnp.zeros((HIDDEN,), dtype=jnp.float32)
    W2 = jax.random.normal(k4, (LABELS, HIDDEN), dtype=jnp.float32) * 0.05
    b2 = jnp.zeros((LABELS,), dtype=jnp.float32)
    return {"X": X, "embed": embed, "W1": W1, "b1": b1, "gamma": gamma, "beta": beta, "W2": W2, "b2": b2}

def reference(X, embed, W1, b1, gamma, beta, W2, b2):
    # embedding lookup (gather) over [B, S] indices
    e = jnp.take(embed, X, axis=0)            # [B, S, D]
    m = jnp.mean(e, axis=1)                    # [B, D]
    h = m @ W1.T + b1                          # [B, H]
    # BatchNorm1d (training mode: batch statistics, biased variance)
    mu = jnp.mean(h, axis=0)
    var = jnp.mean((h - mu) ** 2, axis=0)
    hn = (h - mu) / jnp.sqrt(var + 1e-5) * gamma + beta
    a = jax.nn.relu(hn)
    out = a @ W2.T + b2                        # [B, L]
    return out

if __name__ == "__main__":
    import jax
    _d = setup_inputs()
    print(jax.jit(kernel)(*tuple(_d.values())))

</pallas_src>

<mosaic_0001>
#map = affine_map<(d0, d1) -> (0)>
#map1 = affine_map<(d0, d1) -> (0, 0)>
module attributes {stable_mosaic.version = 14 : i64} {
  func.func @pool(%arg0: i32, %arg1: i32, %arg2: memref<819200xi32, #tpu.memory_space<hbm>>, %arg3: memref<100000x128xf32, #tpu.memory_space<hbm>>, %arg4: memref<4096x128xf32, #tpu.memory_space<hbm>>, %arg5: memref<25600xi32, #tpu.memory_space<vmem>>, %arg6: memref<200x128xf32, #tpu.memory_space<vmem>>, %arg7: memref<200x128xf32, #tpu.memory_space<vmem>>, %arg8: memref<128x128xf32, #tpu.memory_space<vmem>>, %arg9: memref<!tpu.dma_semaphore, #tpu.memory_space<semaphore_mem>>, %arg10: memref<!tpu.dma_semaphore, #tpu.memory_space<semaphore_mem>>) attributes {dimension_semantics = [#tpu.dimension_semantics<core_parallel>, #tpu.dimension_semantics<subcore_parallel>], iteration_bounds = array<i64: 2, 16>, scalar_prefetch = 0 : i64, scratch_operands = 6 : i64, tpu.core_type = #tpu.core_type<sc_vector_subcore>, window_params = [{transform_indices = #map}, {transform_indices = #map1}, {transform_indices = #map1}]} {
    %mul3A = arith.constant 2 : i32
    %mul3A_0 = arith.muli %arg1, %mul3A : i32
    %add3A = arith.addi %mul3A_0, %arg0 : i32
    %mul3A_1 = arith.constant 128 : i32
    %mul3A_2 = arith.muli %add3A, %mul3A_1 : i32
    %mul3A_3 = arith.constant 200 : i32
    %mul3A_4 = arith.muli %mul3A_2, %mul3A_3 : i32
    "tpu.region"() ({
      %run_scoped3A = tpu.sem_alloc : memref<!tpu.dma_semaphore, #tpu.memory_space<semaphore_mem>>
      %dma_start3A_44 = tpu.memref_slice %arg2[%mul3A_4] : memref<819200xi32, #tpu.memory_space<hbm>> -> memref<25600xi32, #tpu.memory_space<hbm>>
      %dma_start3A_45 = tpu.memref_slice %arg2[%mul3A_4] : memref<819200xi32, #tpu.memory_space<hbm>> -> memref<25600xi32, #tpu.memory_space<hbm>>
      tpu.enqueue_dma source(%dma_start3A_45 : memref<25600xi32, #tpu.memory_space<hbm>>) target(%arg5 : memref<25600xi32, #tpu.memory_space<vmem>>) target_semaphore(%run_scoped3A : memref<!tpu.dma_semaphore, #tpu.memory_space<semaphore_mem>>)
      %dma_wait3A = tpu.memref_slice %arg2[%mul3A_4] : memref<819200xi32, #tpu.memory_space<hbm>> -> memref<25600xi32, #tpu.memory_space<hbm>>
      %dma_wait3A_46 = tpu.memref_slice %arg2[%mul3A_4] : memref<819200xi32, #tpu.memory_space<hbm>> -> memref<25600xi32, #tpu.memory_space<hbm>>
      tpu.wait_dma2 semaphore(%run_scoped3A : memref<!tpu.dma_semaphore, #tpu.memory_space<semaphore_mem>>) src(%dma_wait3A_46 : memref<25600xi32, #tpu.memory_space<hbm>>) dst(%arg5 : memref<25600xi32, #tpu.memory_space<vmem>>)
      tpu.yield
    }) : () -> ()
    %multiple_of3A = arith.constant 0 : i32
    %multiple_of3A_5 = tpu.assume_multiple %multiple_of3A, 8 : i32
    %dma_start3A = arith.constant 0 : i32
    %dma_start3A_6 = arith.constant 0 : i32
    %dma_start3A_7 = tpu.memref_slice %arg6[%dma_start3A, %dma_start3A_6] : memref<200x128xf32, #tpu.memory_space<vmem>> -> memref<104x128xf32, #tpu.memory_space<vmem>>
    %dma_start3A_8 = tpu.memref_slice %arg5[%multiple_of3A_5] : memref<25600xi32, #tpu.memory_space<vmem>> -> memref<104xi32, #tpu.memory_space<vmem>>
    %dma_start3A_9 = arith.constant 0 : i32
    %dma_start3A_10 = arith.constant 0 : i32
    %dma_start3A_11 = tpu.memref_slice %arg3[%dma_start3A_9, %dma_start3A_10] : memref<100000x128xf32, #tpu.memory_space<hbm>> -> memref<100000x128xf32, #tpu.memory_space<hbm>>
    tpu.enqueue_indirect_dma source(%dma_start3A_11 : memref<100000x128xf32, #tpu.memory_space<hbm>>) target(%dma_start3A_7 : memref<104x128xf32, #tpu.memory_space<vmem>>) offsets(%dma_start3A_8 : memref<104xi32, #tpu.memory_space<vmem>>) semaphore(%arg9 : memref<!tpu.dma_semaphore, #tpu.memory_space<semaphore_mem>>)
    %add3A_12 = arith.constant 104 : i32
    %add3A_13 = arith.addi %multiple_of3A_5, %add3A_12 : i32
    %dma_start3A_14 = arith.constant 104 : i32
    %dma_start3A_15 = arith.constant 0 : i32
    %dma_start3A_16 = tpu.memref_slice %arg6[%dma_start3A_14, %dma_start3A_15] : memref<200x128xf32, #tpu.memory_space<vmem>> -> memref<96x128xf32, #tpu.memory_space<vmem>>
    %dma_start3A_17 = tpu.memref_slice %arg5[%add3A_13] : memref<25600xi32, #tpu.memory_space<vmem>> -> memref<96xi32, #tpu.memory_space<vmem>>
    %dma_start3A_18 = arith.constant 0 : i32
    %dma_start3A_19 = arith.constant 0 : i32
    %dma_start3A_20 = tpu.memref_slice %arg3[%dma_start3A_18, %dma_start3A_19] : memref<100000x128xf32, #tpu.memory_space<hbm>> -> memref<100000x128xf32, #tpu.memory_space<hbm>>
    tpu.enqueue_indirect_dma source(%dma_start3A_20 : memref<100000x128xf32, #tpu.memory_space<hbm>>) target(%dma_start3A_16 : memref<96x128xf32, #tpu.memory_space<vmem>>) offsets(%dma_start3A_17 : memref<96xi32, #tpu.memory_space<vmem>>) semaphore(%arg9 : memref<!tpu.dma_semaphore, #tpu.memory_space<semaphore_mem>>)
    %multiple_of3A_21 = arith.constant 200 : i32
    %multiple_of3A_22 = tpu.assume_multiple %multiple_of3A_21, 8 : i32
    %dma_start3A_23 = arith.constant 0 : i32
    %dma_start3A_24 = arith.constant 0 : i32
    %dma_start3A_25 = tpu.memref_slice %arg7[%dma_start3A_23, %dma_start3A_24] : memref<200x128xf32, #tpu.memory_space<vmem>> -> memref<104x128xf32, #tpu.memory_space<vmem>>
    %dma_start3A_26 = tpu.memref_slice %arg5[%multiple_of3A_22] : memref<25600xi32, #tpu.memory_space<vmem>> -> memref<104xi32, #tpu.memory_space<vmem>>
    %dma_start3A_27 = arith.constant 0 : i32
    %dma_start3A_28 = arith.constant 0 : i32
    %dma_start3A_29 = tpu.memref_slice %arg3[%dma_start3A_27, %dma_start3A_28] : memref<100000x128xf32, #tpu.memory_space<hbm>> -> memref<100000x128xf32, #tpu.memory_space<hbm>>
    tpu.enqueue_indirect_dma source(%dma_start3A_29 : memref<100000x128xf32, #tpu.memory_space<hbm>>) target(%dma_start3A_25 : memref<104x128xf32, #tpu.memory_space<vmem>>) offsets(%dma_start3A_26 : memref<104xi32, #tpu.memory_space<vmem>>) semaphore(%arg10 : memref<!tpu.dma_semaphore, #tpu.memory_space<semaphore_mem>>)
    %add3A_30 = arith.constant 104 : i32
    %add3A_31 = arith.addi %multiple_of3A_22, %add3A_30 : i32
    %dma_start3A_32 = arith.constant 104 : i32
    %dma_start3A_33 = arith.constant 0 : i32
    %dma_start3A_34 = tpu.memref_slice %arg7[%dma_start3A_32, %dma_start3A_33] : memref<200x128xf32, #tpu.memory_space<vmem>> -> memref<96x128xf32, #tpu.memory_space<vmem>>
    %dma_start3A_35 = tpu.memref_slice %arg5[%add3A_31] : memref<25600xi32, #tpu.memory_space<vmem>> -> memref<96xi32, #tpu.memory_space<vmem>>
    %dma_start3A_36 = arith.constant 0 : i32
    %dma_start3A_37 = arith.constant 0 : i32
    %dma_start3A_38 = tpu.memref_slice %arg3[%dma_start3A_36, %dma_start3A_37] : memref<100000x128xf32, #tpu.memory_space<hbm>> -> memref<100000x128xf32, #tpu.memory_space<hbm>>
    tpu.enqueue_indirect_dma source(%dma_start3A_38 : memref<100000x128xf32, #tpu.memory_space<hbm>>) target(%dma_start3A_34 : memref<96x128xf32, #tpu.memory_space<vmem>>) offsets(%dma_start3A_35 : memref<96xi32, #tpu.memory_space<vmem>>) semaphore(%arg10 : memref<!tpu.dma_semaphore, #tpu.memory_space<semaphore_mem>>)
    %scan3A = arith.constant 0 : i32
    %scan3A_39 = arith.constant 0 : i32
    %scan3A_40 = arith.constant 64 : i32
    %scan3A_41 = arith.addi %scan3A_39, %scan3A_40 : i32
    %scan3A_42 = arith.constant 1 : i32
    scf.for %scan3A_44 = %scan3A_39 to %scan3A_41 step %scan3A_42  : i32 {
      %mul3A_45 = arith.constant 2 : i32
      %mul3A_46 = arith.muli %mul3A_45, %scan3A_44 : i32
      %add3A_47 = arith.constant 0 : i32
      %add3A_48 = arith.addi %mul3A_46, %add3A_47 : i32
      %dma_wait3A = arith.constant 0 : i32
      %dma_wait3A_49 = arith.constant 0 : i32
      %dma_wait3A_50 = tpu.memref_slice %arg3[%dma_wait3A, %dma_wait3A_49] : memref<100000x128xf32, #tpu.memory_space<hbm>> -> memref<200x128xf32, #tpu.memory_space<hbm>>
      %dma_wait3A_51 = arith.constant 0 : i32
      %dma_wait3A_52 = arith.constant 0 : i32
      %dma_wait3A_53 = tpu.memref_slice %arg3[%dma_wait3A_51, %dma_wait3A_52] : memref<100000x128xf32, #tpu.memory_space<hbm>> -> memref<200x128xf32, #tpu.memory_space<hbm>>
      tpu.wait_dma2 semaphore(%arg9 : memref<!tpu.dma_semaphore, #tpu.memory_space<semaphore_mem>>) src(%dma_wait3A_53 : memref<200x128xf32, #tpu.memory_space<hbm>>) dst(%arg6 : memref<200x128xf32, #tpu.memory_space<vmem>>)
      %broadcast_in_dim3A = arith.constant 0.000000e+00 : f32
      %broadcast_in_dim3A_54 = vector.broadcast %broadcast_in_dim3A : f32 to vector<16xf32>
      %broadcast_in_dim3A_55 = arith.constant 0.000000e+00 : f32
      %broadcast_in_dim3A_56 = vector.broadcast %broadcast_in_dim3A_55 : f32 to vector<16xf32>
      %broadcast_in_dim3A_57 = arith.constant 0.000000e+00 : f32
      %broadcast_in_dim3A_58 = vector.broadcast %broadcast_in_dim3A_57 : f32 to vector<16xf32>
      %broadcast_in_dim3A_59 = arith.constant 0.000000e+00 : f32
      %broadcast_in_dim3A_60 = vector.broadcast %broadcast_in_dim3A_59 : f32 to vector<16xf32>
      %broadcast_in_dim3A_61 = arith.constant 0.000000e+00 : f32
      %broadcast_in_dim3A_62 = vector.broadcast %broadcast_in_dim3A_61 : f32 to vector<16xf32>
      %broadcast_in_dim3A_63 = arith.constant 0.000000e+00 : f32
      %broadcast_in_dim3A_64 = vector.broadcast %broadcast_in_dim3A_63 : f32 to vector<16xf32>
      %broadcast_in_dim3A_65 = arith.constant 0.000000e+00 : f32
      %broadcast_in_dim3A_66 = vector.broadcast %broadcast_in_dim3A_65 : f32 to vector<16xf32>
      %broadcast_in_dim3A_67 = arith.constant 0.000000e+00 : f32
      %broadcast_in_dim3A_68 = vector.broadcast %broadcast_in_dim3A_67 : f32 to vector<16xf32>
      %scan3A_69 = arith.constant 0 : i32
      %scan3A_70 = arith.constant 50 : i32
      %scan3A_71 = arith.addi %scan3A_69, %scan3A_70 : i32
      %scan3A_72 = arith.constant 1 : i32
      %scan3A_73:8 = scf.for %scan3A_197 = %scan3A_69 to %scan3A_71 step %scan3A_72 iter_args(%scan3A_198 = %broadcast_in_dim3A_54, %scan3A_199 = %broadcast_in_dim3A_56, %scan3A_200 = %broadcast_in_dim3A_58, %scan3A_201 = %broadcast_in_dim3A_60, %scan3A_202 = %broadcast_in_dim3A_62, %scan3A_203 = %broadcast_in_dim3A_64, %scan3A_204 = %broadcast_in_dim3A_66, %scan3A_205 = %broadcast_in_dim3A_68) -> (vector<16xf32>, vector<16xf32>, vector<16xf32>, vector<16xf32>, vector<16xf32>, vector<16xf32>, vector<16xf32>, vector<16xf32>)  : i32 {
        %mul3A_206 = arith.constant 4 : i32
        %mul3A_207 = arith.muli %scan3A_197, %mul3A_206 : i32
        %add3A_208 = arith.constant 0 : i32
        %add3A_209 = arith.addi %mul3A_207, %add3A_208 : i32
        %get3A = arith.index_cast %add3A_209 : i32 to index
        %get3A_210 = arith.constant 0 : index
        %get3A_211 = tpu.vector_load %arg6[%get3A, %get3A_210] {strides = array<i32>} : memref<200x128xf32, #tpu.memory_space<vmem>>, vector<1x16xf32>,
        %get3A_212 = vector.shape_cast %get3A_211 : vector<1x16xf32> to vector<16xf32>
        %add3A_213 = arith.addf %scan3A_198, %get3A_212 : vector<16xf32>
        %add3A_214 = arith.constant 0 : i32
        %add3A_215 = arith.addi %mul3A_207, %add3A_214 : i32
        %get3A_216 = arith.index_cast %add3A_215 : i32 to index
        %get3A_217 = arith.constant 16 : index
        %get3A_218 = tpu.vector_load %arg6[%get3A_216, %get3A_217] {strides = array<i32>} : memref<200x128xf32, #tpu.memory_space<vmem>>, vector<1x16xf32>,
        %get3A_219 = vector.shape_cast %get3A_218 : vector<1x16xf32> to vector<16xf32>
        %add3A_220 = arith.addf %scan3A_199, %get3A_219 : vector<16xf32>
        %add3A_221 = arith.constant 0 : i32
        %add3A_222 = arith.addi %mul3A_207, %add3A_221 : i32
        %get3A_223 = arith.index_cast %add3A_222 : i32 to index
        %get3A_224 = arith.constant 32 : index
        %get3A_225 = tpu.vector_load %arg6[%get3A_223, %get3A_224] {strides = array<i32>} : memref<200x128xf32, #tpu.memory_space<vmem>>, vector<1x16xf32>,
        %get3A_226 = vector.shape_cast %get3A_225 : vector<1x16xf32> to vector<16xf32>
        %add3A_227 = arith.addf %scan3A_200, %get3A_226 : vector<16xf32>
        %add3A_228 = arith.constant 0 : i32
        %add3A_229 = arith.addi %mul3A_207, %add3A_228 : i32
        %get3A_230 = arith.index_cast %add3A_229 : i32 to index
        %get3A_231 = arith.constant 48 : index
        %get3A_232 = tpu.vector_load %arg6[%get3A_230, %get3A_231] {strides = array<i32>} : memref<200x128xf32, #tpu.memory_space<vmem>>, vector<1x16xf32>,
        %get3A_233 = vector.shape_cast %get3A_232 : vector<1x16xf32> to vector<16xf32>
        %add3A_234 = arith.addf %scan3A_201, %get3A_233 : vector<16xf32>
        %add3A_235 = arith.constant 0 : i32
        %add3A_236 = arith.addi %mul3A_207, %add3A_235 : i32
        %get3A_237 = arith.index_cast %add3A_236 : i32 to index
        %get3A_238 = arith.constant 64 : index
        %get3A_239 = tpu.vector_load %arg6[%get3A_237, %get3A_238] {strides = array<i32>} : memref<200x128xf32, #tpu.memory_space<vmem>>, vector<1x16xf32>,
        %get3A_240 = vector.shape_cast %get3A_239 : vector<1x16xf32> to vector<16xf32>
        %add3A_241 = arith.addf %scan3A_202, %get3A_240 : vector<16xf32>
        %add3A_242 = arith.constant 0 : i32
        %add3A_243 = arith.addi %mul3A_207, %add3A_242 : i32
        %get3A_244 = arith.index_cast %add3A_243 : i32 to index
        %get3A_245 = arith.constant 80 : index
        %get3A_246 = tpu.vector_load %arg6[%get3A_244, %get3A_245] {strides = array<i32>} : memref<200x128xf32, #tpu.memory_space<vmem>>, vector<1x16xf32>,
        %get3A_247 = vector.shape_cast %get3A_246 : vector<1x16xf32> to vector<16xf32>
        %add3A_248 = arith.addf %scan3A_203, %get3A_247 : vector<16xf32>
        %add3A_249 = arith.constant 0 : i32
        %add3A_250 = arith.addi %mul3A_207, %add3A_249 : i32
        %get3A_251 = arith.index_cast %add3A_250 : i32 to index
        %get3A_252 = arith.constant 96 : index
        %get3A_253 = tpu.vector_load %arg6[%get3A_251, %get3A_252] {strides = array<i32>} : memref<200x128xf32, #tpu.memory_space<vmem>>, vector<1x16xf32>,
        %get3A_254 = vector.shape_cast %get3A_253 : vector<1x16xf32> to vector<16xf32>
        %add3A_255 = arith.addf %scan3A_204, %get3A_254 : vector<16xf32>
        %add3A_256 = arith.constant 0 : i32
        %add3A_257 = arith.addi %mul3A_207, %add3A_256 : i32
        %get3A_258 = arith.index_cast %add3A_257 : i32 to index
        %get3A_259 = arith.constant 112 : index
        %get3A_260 = tpu.vector_load %arg6[%get3A_258, %get3A_259] {strides = array<i32>} : memref<200x128xf32, #tpu.memory_space<vmem>>, vector<1x16xf32>,
        %get3A_261 = vector.shape_cast %get3A_260 : vector<1x16xf32> to vector<16xf32>
        %add3A_262 = arith.addf %scan3A_205, %get3A_261 : vector<16xf32>
        %add3A_263 = arith.constant 1 : i32
        %add3A_264 = arith.addi %mul3A_207, %add3A_263 : i32
        %get3A_265 = arith.index_cast %add3A_264 : i32 to index
        %get3A_266 = arith.constant 0 : index
        %get3A_267 = tpu.vector_load %arg6[%get3A_265, %get3A_266] {strides = array<i32>} : memref<200x128xf32, #tpu.memory_space<vmem>>, vector<1x16xf32>,
        %get3A_268 = vector.shape_cast %get3A_267 : vector<1x16xf32> to vector<16xf32>
        %add3A_269 = arith.addf %add3A_213, %get3A_268 : vector<16xf32>
        %add3A_270 = arith.constant 1 : i32
        %add3A_271 = arith.addi %mul3A_207, %add3A_270 : i32
        %get3A_272 = arith.index_cast %add3A_271 : i32 to index
        %get3A_273 = arith.constant 16 : index
        %get3A_274 = tpu.vector_load %arg6[%get3A_272, %get3A_273] {strides = array<i32>} : memref<200x128xf32, #tpu.memory_space<vmem>>, vector<1x16xf32>,
        %get3A_275 = vector.shape_cast %get3A_274 : vector<1x16xf32> to vector<16xf32>
        %add3A_276 = arith.addf %add3A_220, %get3A_275 : vector<16xf32>
        %add3A_277 = arith.constant 1 : i32
        %add3A_278 = arith.addi %mul3A_207, %add3A_277 : i32
        %get3A_279 = arith.index_cast %add3A_278 : i32 to index
        %get3A_280 = arith.constant 32 : index
        %get3A_281 = tpu.vector_load %arg6[%get3A_279, %get3A_280] {strides = array<i32>} : memref<200x128xf32, #tpu.memory_space<vmem>>, vector<1x16xf32>,
        %get3A_282 = vector.shape_cast %get3A_281 : vector<1x16xf32> to vector<16xf32>
        %add3A_283 = arith.addf %add3A_227, %get3A_282 : vector<16xf32>
        %add3A_284 = arith.constant 1 : i32
        %add3A_285 = arith.addi %mul3A_207, %add3A_284 : i32
        %get3A_286 = arith.index_cast %add3A_285 : i32 to index
        %get3A_287 = arith.constant 48 : index
        %get3A_288 = tpu.vector_load %arg6[%get3A_286, %get3A_287] {strides = array<i32>} : memref<200x128xf32, #tpu.memory_space<vmem>>, vector<1x16xf32>,
        %get3A_289 = vector.shape_cast %get3A_288 : vector<1x16xf32> to vector<16xf32>
        %add3A_290 = arith.addf %add3A_234, %get3A_289 : vector<16xf32>
        %add3A_291 = arith.constant 1 : i32
        %add3A_292 = arith.addi %mul3A_207, %add3A_291 : i32
        %get3A_293 = arith.index_cast %add3A_292 : i32 to index
        %get3A_294 = arith.constant 64 : index
        %get3A_295 = tpu.vector_load %arg6[%get3A_293, %get3A_294] {strides = array<i32>} : memref<200x128xf32, #tpu.memory_space<vmem>>, vector<1x16xf32>,
        %get3A_296 = vector.shape_cast %get3A_295 : vector<1x16xf32> to vector<16xf32>
        %add3A_297 = arith.addf %add3A_241, %get3A_296 : vector<16xf32>
        %add3A_298 = arith.constant 1 : i32
        %add3A_299 = arith.addi %mul3A_207, %add3A_298 : i32
        %get3A_300 = arith.index_cast %add3A_299 : i32 to index
        %get3A_301 = arith.constant 80 : index
        %get3A_302 = tpu.vector_load %arg6[%get3A_300, %get3A_301] {strides = array<i32>} : memref<200x128xf32, #tpu.memory_space<vmem>>, vector<1x16xf32>,
        %get3A_303 = vector.shape_cast %get3A_302 : vector<1x16xf32> to vector<16xf32>
        %add3A_304 = arith.addf %add3A_248, %get3A_303 : vector<16xf32>
        %add3A_305 = arith.constant 1 : i32
        %add3A_306 = arith.addi %mul3A_207, %add3A_305 : i32
        %get3A_307 = arith.index_cast %add3A_306 : i32 to index
        %get3A_308 = arith.constant 96 : index
        %get3A_309 = tpu.vector_load %arg6[%get3A_307, %get3A_308] {strides = array<i32>} : memref<200x128xf32, #tpu.memory_space<vmem>>, vector<1x16xf32>,
        %get3A_310 = vector.shape_cast %get3A_309 : vector<1x16xf32> to vector<16xf32>
        %add3A_311 = arith.addf %add3A_255, %get3A_310 : vector<16xf32>
        %add3A_312 = arith.constant 1 : i32
        %add3A_313 = arith.addi %mul3A_207, %add3A_312 : i32
        %get3A_314 = arith.index_cast %add3A_313 : i32 to index
        %get3A_315 = arith.constant 112 : index
        %get3A_316 = tpu.vector_load %arg6[%get3A_314, %get3A_315] {strides = array<i32>} : memref<200x128xf32, #tpu.memory_space<vmem>>, vector<1x16xf32>,
        %get3A_317 = vector.shape_cast %get3A_316 : vector<1x16xf32> to vector<16xf32>
        %add3A_318 = arith.addf %add3A_262, %get3A_317 : vector<16xf32>
        %add3A_319 = arith.constant 2 : i32
        %add3A_320 = arith.addi %mul3A_207, %add3A_319 : i32
        %get3A_321 = arith.index_cast %add3A_320 : i32 to index
        %get3A_322 = arith.constant 0 : index
        %get3A_323 = tpu.vector_load %arg6[%get3A_321, %get3A_322] {strides = array<i32>} : memref<200x128xf32, #tpu.memory_space<vmem>>, vector<1x16xf32>,
        %get3A_324 = vector.shape_cast %get3A_323 : vector<1x16xf32> to vector<16xf32>
        %add3A_325 = arith.addf %add3A_269, %get3A_324 : vector<16xf32>
        %add3A_326 = arith.constant 2 : i32
        %add3A_327 = arith.addi %mul3A_207, %add3A_326 : i32
        %get3A_328 = arith.index_cast %add3A_327 : i32 to index
        %get3A_329 = arith.constant 16 : index
        %get3A_330 = tpu.vector_load %arg6[%get3A_328, %get3A_329] {strides = array<i32>} : memref<200x128xf32, #tpu.memory_space<vmem>>, vector<1x16xf32>,
        %get3A_331 = vector.shape_cast %get3A_330 : vector<1x16xf32> to vector<16xf32>
        %add3A_332 = arith.addf %add3A_276, %get3A_331 : vector<16xf32>
        %add3A_333 = arith.constant 2 : i32
        %add3A_334 = arith.addi %mul3A_207, %add3A_333 : i32
        %get3A_335 = arith.index_cast %add3A_334 : i32 to index
        %get3A_336 = arith.constant 32 : index
        %get3A_337 = tpu.vector_load %arg6[%get3A_335, %get3A_336] {strides = array<i32>} : memref<200x128xf32, #tpu.memory_space<vmem>>, vector<1x16xf32>,
        %get3A_338 = vector.shape_cast %get3A_337 : vector<1x16xf32> to vector<16xf32>
        %add3A_339 = arith.addf %add3A_283, %get3A_338 : vector<16xf32>
        %add3A_340 = arith.constant 2 : i32
        %add3A_341 = arith.addi %mul3A_207, %add3A_340 : i32
        %get3A_342 = arith.index_cast %add3A_341 : i32 to index
        %get3A_343 = arith.constant 48 : index
        %get3A_344 = tpu.vector_load %arg6[%get3A_342, %get3A_343] {strides = array<i32>} : memref<200x128xf32, #tpu.memory_space<vmem>>, vector<1x16xf32>,
        %get3A_345 = vector.shape_cast %get3A_344 : vector<1x16xf32> to vector<16xf32>
        %add3A_346 = arith.addf %add3A_290, %get3A_345 : vector<16xf32>
        %add3A_347 = arith.constant 2 : i32
        %add3A_348 = arith.addi %mul3A_207, %add3A_347 : i32
        %get3A_349 = arith.index_cast %add3A_348 : i32 to index
        %get3A_350 = arith.constant 64 : index
        %get3A_351 = tpu.vector_load %arg6[%get3A_349, %get3A_350] {strides = array<i32>} : memref<200x128xf32, #tpu.memory_space<vmem>>, vector<1x16xf32>,
        %get3A_352 = vector.shape_cast %get3A_351 : vector<1x16xf32> to vector<16xf32>
        %add3A_353 = arith.addf %add3A_297, %get3A_352 : vector<16xf32>
        %add3A_354 = arith.constant 2 : i32
        %add3A_355 = arith.addi %mul3A_207, %add3A_354 : i32
        %get3A_356 = arith.index_cast %add3A_355 : i32 to index
        %get3A_357 = arith.constant 80 : index
        %get3A_358 = tpu.vector_load %arg6[%get3A_356, %get3A_357] {strides = array<i32>} : memref<200x128xf32, #tpu.memory_space<vmem>>, vector<1x16xf32>,
        %get3A_359 = vector.shape_cast %get3A_358 : vector<1x16xf32> to vector<16xf32>
        %add3A_360 = arith.addf %add3A_304, %get3A_359 : vector<16xf32>
        %add3A_361 = arith.constant 2 : i32
        %add3A_362 = arith.addi %mul3A_207, %add3A_361 : i32
        %get3A_363 = arith.index_cast %add3A_362 : i32 to index
        %get3A_364 = arith.constant 96 : index
        %get3A_365 = tpu.vector_load %arg6[%get3A_363, %get3A_364] {strides = array<i32>} : memref<200x128xf32, #tpu.memory_space<vmem>>, vector<1x16xf32>,
        %get3A_366 = vector.shape_cast %get3A_365 : vector<1x16xf32> to vector<16xf32>
        %add3A_367 = arith.addf %add3A_311, %get3A_366 : vector<16xf32>
        %add3A_368 = arith.constant 2 : i32
        %add3A_369 = arith.addi %mul3A_207, %add3A_368 : i32
        %get3A_370 = arith.index_cast %add3A_369 : i32 to index
        %get3A_371 = arith.constant 112 : index
        %get3A_372 = tpu.vector_load %arg6[%get3A_370, %get3A_371] {strides = array<i32>} : memref<200x128xf32, #tpu.memory_space<vmem>>, vector<1x16xf32>,
        %get3A_373 = vector.shape_cast %get3A_372 : vector<1x16xf32> to vector<16xf32>
        %add3A_374 = arith.addf %add3A_318, %get3A_373 : vector<16xf32>
        %add3A_375 = arith.constant 3 : i32
        %add3A_376 = arith.addi %mul3A_207, %add3A_375 : i32
        %get3A_377 = arith.index_cast %add3A_376 : i32 to index
        %get3A_378 = arith.constant 0 : index
        %get3A_379 = tpu.vector_load %arg6[%get3A_377, %get3A_378] {strides = array<i32>} : memref<200x128xf32, #tpu.memory_space<vmem>>, vector<1x16xf32>,
        %get3A_380 = vector.shape_cast %get3A_379 : vector<1x16xf32> to vector<16xf32>
        %add3A_381 = arith.addf %add3A_325, %get3A_380 : vector<16xf32>
        %add3A_382 = arith.constant 3 : i32
        %add3A_383 = arith.addi %mul3A_207, %add3A_382 : i32
        %get3A_384 = arith.index_cast %add3A_383 : i32 to index
        %get3A_385 = arith.constant 16 : index
        %get3A_386 = tpu.vector_load %arg6[%get3A_384, %get3A_385] {strides = array<i32>} : memref<200x128xf32, #tpu.memory_space<vmem>>, vector<1x16xf32>,
        %get3A_387 = vector.shape_cast %get3A_386 : vector<1x16xf32> to vector<16xf32>
        %add3A_388 = arith.addf %add3A_332, %get3A_387 : vector<16xf32>
        %add3A_389 = arith.constant 3 : i32
        %add3A_390 = arith.addi %mul3A_207, %add3A_389 : i32
        %get3A_391 = arith.index_cast %add3A_390 : i32 to index
        %get3A_392 = arith.constant 32 : index
        %get3A_393 = tpu.vector_load %arg6[%get3A_391, %get3A_392] {strides = array<i32>} : memref<200x128xf32, #tpu.memory_space<vmem>>, vector<1x16xf32>,
        %get3A_394 = vector.shape_cast %get3A_393 : vector<1x16xf32> to vector<16xf32>
        %add3A_395 = arith.addf %add3A_339, %get3A_394 : vector<16xf32>
        %add3A_396 = arith.constant 3 : i32
        %add3A_397 = arith.addi %mul3A_207, %add3A_396 : i32
        %get3A_398 = arith.index_cast %add3A_397 : i32 to index
        %get3A_399 = arith.constant 48 : index
        %get3A_400 = tpu.vector_load %arg6[%get3A_398, %get3A_399] {strides = array<i32>} : memref<200x128xf32, #tpu.memory_space<vmem>>, vector<1x16xf32>,
        %get3A_401 = vector.shape_cast %get3A_400 : vector<1x16xf32> to vector<16xf32>
        %add3A_402 = arith.addf %add3A_346, %get3A_401 : vector<16xf32>
        %add3A_403 = arith.constant 3 : i32
        %add3A_404 = arith.addi %mul3A_207, %add3A_403 : i32
        %get3A_405 = arith.index_cast %add3A_404 : i32 to index
        %get3A_406 = arith.constant 64 : index
        %get3A_407 = tpu.vector_load %arg6[%get3A_405, %get3A_406] {strides = array<i32>} : memref<200x128xf32, #tpu.memory_space<vmem>>, vector<1x16xf32>,
        %get3A_408 = vector.shape_cast %get3A_407 : vector<1x16xf32> to vector<16xf32>
        %add3A_409 = arith.addf %add3A_353, %get3A_408 : vector<16xf32>
        %add3A_410 = arith.constant 3 : i32
        %add3A_411 = arith.addi %mul3A_207, %add3A_410 : i32
        %get3A_412 = arith.index_cast %add3A_411 : i32 to index
        %get3A_413 = arith.constant 80 : index
        %get3A_414 = tpu.vector_load %arg6[%get3A_412, %get3A_413] {strides = array<i32>} : memref<200x128xf32, #tpu.memory_space<vmem>>, vector<1x16xf32>,
        %get3A_415 = vector.shape_cast %get3A_414 : vector<1x16xf32> to vector<16xf32>
        %add3A_416 = arith.addf %add3A_360, %get3A_415 : vector<16xf32>
        %add3A_417 = arith.constant 3 : i32
        %add3A_418 = arith.addi %mul3A_207, %add3A_417 : i32
        %get3A_419 = arith.index_cast %add3A_418 : i32 to index
        %get3A_420 = arith.constant 96 : index
        %get3A_421 = tpu.vector_load %arg6[%get3A_419, %get3A_420] {strides = array<i32>} : memref<200x128xf32, #tpu.memory_space<vmem>>, vector<1x16xf32>,
        %get3A_422 = vector.shape_cast %get3A_421 : vector<1x16xf32> to vector<16xf32>
        %add3A_423 = arith.addf %add3A_367, %get3A_422 : vector<16xf32>
        %add3A_424 = arith.constant 3 : i32
        %add3A_425 = arith.addi %mul3A_207, %add3A_424 : i32
        %get3A_426 = arith.index_cast %add3A_425 : i32 to index
        %get3A_427 = arith.constant 112 : index
        %get3A_428 = tpu.vector_load %arg6[%get3A_426, %get3A_427] {strides = array<i32>} : memref<200x128xf32, #tpu.memory_space<vmem>>, vector<1x16xf32>,
        %get3A_429 = vector.shape_cast %get3A_428 : vector<1x16xf32> to vector<16xf32>
        %add3A_430 = arith.addf %add3A_374, %get3A_429 : vector<16xf32>
        scf.yield %add3A_381, %add3A_388, %add3A_395, %add3A_402, %add3A_409, %add3A_416, %add3A_423, %add3A_430 : vector<16xf32>, vector<16xf32>, vector<16xf32>, vector<16xf32>, vector<16xf32>, vector<16xf32>, vector<16xf32>, vector<16xf32>
      }
      %scan3A_74 = arith.constant 50 : i32
      %swap3A = arith.index_cast %add3A_48 : i32 to index
      %swap3A_75 = arith.constant 0 : index
      %swap3A_76 = tpu.vector_load %arg8[%swap3A, %swap3A_75] {strides = array<i32>} : memref<128x128xf32, #tpu.memory_space<vmem>>, vector<1x16xf32>,
      %swap3A_77 = vector.shape_cast %swap3A_76 : vector<1x16xf32> to vector<16xf32>
      %swap3A_78 = vector.shape_cast %scan3A_73#0 : vector<16xf32> to vector<1x16xf32>
      tpu.vector_store %arg8[%swap3A, %swap3A_75], %swap3A_78 {strides = array<i32>} : memref<128x128xf32, #tpu.memory_space<vmem>>, vector<1x16xf32>,
      %swap3A_79 = arith.index_cast %add3A_48 : i32 to index
      %swap3A_80 = arith.constant 16 : index
      %swap3A_81 = tpu.vector_load %arg8[%swap3A_79, %swap3A_80] {strides = array<i32>} : memref<128x128xf32, #tpu.memory_space<vmem>>, vector<1x16xf32>,
      %swap3A_82 = vector.shape_cast %swap3A_81 : vector<1x16xf32> to vector<16xf32>
      %swap3A_83 = vector.shape_cast %scan3A_73#1 : vector<16xf32> to vector<1x16xf32>
      tpu.vector_store %arg8[%swap3A_79, %swap3A_80], %swap3A_83 {strides = array<i32>} : memref<128x128xf32, #tpu.memory_space<vmem>>, vector<1x16xf32>,
      %swap3A_84 = arith.index_cast %add3A_48 : i32 to index
      %swap3A_85 = arith.constant 32 : index
      %swap3A_86 = tpu.vector_load %arg8[%swap3A_84, %swap3A_85] {strides = array<i32>} : memref<128x128xf32, #tpu.memory_space<vmem>>, vector<1x16xf32>,
      %swap3A_87 = vector.shape_cast %swap3A_86 : vector<1x16xf32> to vector<16xf32>
      %swap3A_88 = vector.shape_cast %scan3A_73#2 : vector<16xf32> to vector<1x16xf32>
      tpu.vector_store %arg8[%swap3A_84, %swap3A_85], %swap3A_88 {strides = array<i32>} : memref<128x128xf32, #tpu.memory_space<vmem>>, vector<1x16xf32>,
      %swap3A_89 = arith.index_cast %add3A_48 : i32 to index
      %swap3A_90 = arith.constant 48 : index
      %swap3A_91 = tpu.vector_load %arg8[%swap3A_89, %swap3A_90] {strides = array<i32>} : memref<128x128xf32, #tpu.memory_space<vmem>>, vector<1x16xf32>,
      %swap3A_92 = vector.shape_cast %swap3A_91 : vector<1x16xf32> to vector<16xf32>
      %swap3A_93 = vector.shape_cast %scan3A_73#3 : vector<16xf32> to vector<1x16xf32>
      tpu.vector_store %arg8[%swap3A_89, %swap3A_90], %swap3A_93 {strides = array<i32>} : memref<128x128xf32, #tpu.memory_space<vmem>>, vector<1x16xf32>,
      %swap3A_94 = arith.index_cast %add3A_48 : i32 to index
      %swap3A_95 = arith.constant 64 : index
      %swap3A_96 = tpu.vector_load %arg8[%swap3A_94, %swap3A_95] {strides = array<i32>} : memref<128x128xf32, #tpu.memory_space<vmem>>, vector<1x16xf32>,
      %swap3A_97 = vector.shape_cast %swap3A_96 : vector<1x16xf32> to vector<16xf32>
      %swap3A_98 = vector.shape_cast %scan3A_73#4 : vector<16xf32> to vector<1x16xf32>
      tpu.vector_store %arg8[%swap3A_94, %swap3A_95], %swap3A_98 {strides = array<i32>} : memref<128x128xf32, #tpu.memory_space<vmem>>, vector<1x16xf32>,
      %swap3A_99 = arith.index_cast %add3A_48 : i32 to index
      %swap3A_100 = arith.constant 80 : index
      %swap3A_101 = tpu.vector_load %arg8[%swap3A_99, %swap3A_100] {strides = array<i32>} : memref<128x128xf32, #tpu.memory_space<vmem>>, vector<1x16xf32>,
      %swap3A_102 = vector.shape_cast %swap3A_101 : vector<1x16xf32> to vector<16xf32>
      %swap3A_103 = vector.shape_cast %scan3A_73#5 : vector<16xf32> to vector<1x16xf32>
      tpu.vector_store %arg8[%swap3A_99, %swap3A_100], %swap3A_103 {strides = array<i32>} : memref<128x128xf32, #tpu.memory_space<vmem>>, vector<1x16xf32>,
      %swap3A_104 = arith.index_cast %add3A_48 : i32 to index
      %swap3A_105 = arith.constant 96 : index
      %swap3A_106 = tpu.vector_load %arg8[%swap3A_104, %swap3A_105] {strides = array<i32>} : memref<128x128xf32, #tpu.memory_space<vmem>>, vector<1x16xf32>,
      %swap3A_107 = vector.shape_cast %swap3A_106 : vector<1x16xf32> to vector<16xf32>
      %swap3A_108 = vector.shape_cast %scan3A_73#6 : vector<16xf32> to vector<1x16xf32>
      tpu.vector_store %arg8[%swap3A_104, %swap3A_105], %swap3A_108 {strides = array<i32>} : memref<128x128xf32, #tpu.memory_space<vmem>>, vector<1x16xf32>,
      %swap3A_109 = arith.index_cast %add3A_48 : i32 to index
      %swap3A_110 = arith.constant 112 : index
      %swap3A_111 = tpu.vector_load %arg8[%swap3A_109, %swap3A_110] {strides = array<i32>} : memref<128x128xf32, #tpu.memory_space<vmem>>, vector<1x16xf32>,
      %swap3A_112 = vector.shape_cast %swap3A_111 : vector<1x16xf32> to vector<16xf32>
      %swap3A_113 = vector.shape_cast %scan3A_73#7 : vector<16xf32> to vector<1x16xf32>
      tpu.vector_store %arg8[%swap3A_109, %swap3A_110], %swap3A_113 {strides = array<i32>} : memref<128x128xf32, #tpu.memory_space<vmem>>, vector<1x16xf32>,
      %add3A_114 = arith.constant 2 : i32
      %add3A_115 = arith.addi %add3A_48, %add3A_114 : i32
      %lt3A = arith.constant 128 : i32
      %lt3A_116 = arith.cmpi slt, %add3A_115, %lt3A : i32
      %convert_element_type3A = arith.extui %lt3A_116 : i1 to i32
      %cond3A = arith.constant 0 : i32
      %cond3A_117 = arith.cmpi ne, %convert_element_type3A, %cond3A : i32
      scf.if %cond3A_117 {
        %add3A_197 = arith.constant 2 : i32
        %add3A_198 = arith.addi %add3A_48, %add3A_197 : i32
        %mul3A_199 = arith.constant 200 : i32
        %mul3A_200 = arith.muli %add3A_198, %mul3A_199 : i32
        %multiple_of3A_201 = tpu.assume_multiple %mul3A_200, 8 : i32
        %dma_start3A_202 = arith.constant 0 : i32
        %dma_start3A_203 = arith.constant 0 : i32
        %dma_start3A_204 = tpu.memref_slice %arg6[%dma_start3A_202, %dma_start3A_203] : memref<200x128xf32, #tpu.memory_space<vmem>> -> memref<104x128xf32, #tpu.memory_space<vmem>>
        %dma_start3A_205 = tpu.memref_slice %arg5[%multiple_of3A_201] : memref<25600xi32, #tpu.memory_space<vmem>> -> memref<104xi32, #tpu.memory_space<vmem>>
        %dma_start3A_206 = arith.constant 0 : i32
        %dma_start3A_207 = arith.constant 0 : i32
        %dma_start3A_208 = tpu.memref_slice %arg3[%dma_start3A_206, %dma_start3A_207] : memref<100000x128xf32, #tpu.memory_space<hbm>> -> memref<100000x128xf32, #tpu.memory_space<hbm>>
        tpu.enqueue_indirect_dma source(%dma_start3A_208 : memref<100000x128xf32, #tpu.memory_space<hbm>>) target(%dma_start3A_204 : memref<104x128xf32, #tpu.memory_space<vmem>>) offsets(%dma_start3A_205 : memref<104xi32, #tpu.memory_space<vmem>>) semaphore(%arg9 : memref<!tpu.dma_semaphore, #tpu.memory_space<semaphore_mem>>)
        %add3A_209 = arith.constant 104 : i32
        %add3A_210 = arith.addi %multiple_of3A_201, %add3A_209 : i32
        %dma_start3A_211 = arith.constant 104 : i32
        %dma_start3A_212 = arith.constant 0 : i32
        %dma_start3A_213 = tpu.memref_slice %arg6[%dma_start3A_211, %dma_start3A_212] : memref<200x128xf32, #tpu.memory_space<vmem>> -> memref<96x128xf32, #tpu.memory_space<vmem>>
        %dma_start3A_214 = tpu.memref_slice %arg5[%add3A_210] : memref<25600xi32, #tpu.memory_space<vmem>> -> memref<96xi32, #tpu.memory_space<vmem>>
        %dma_start3A_215 = arith.constant 0 : i32
        %dma_start3A_216 = arith.constant 0 : i32
        %dma_start3A_217 = tpu.memref_slice %arg3[%dma_start3A_215, %dma_start3A_216] : memref<100000x128xf32, #tpu.memory_space<hbm>> -> memref<100000x128xf32, #tpu.memory_space<hbm>>
        tpu.enqueue_indirect_dma source(%dma_start3A_217 : memref<100000x128xf32, #tpu.memory_space<hbm>>) target(%dma_start3A_213 : memref<96x128xf32, #tpu.memory_space<vmem>>) offsets(%dma_start3A_214 : memref<96xi32, #tpu.memory_space<vmem>>) semaphore(%arg9 : memref<!tpu.dma_semaphore, #tpu.memory_space<semaphore_mem>>)
      } else {
      }
      %mul3A_118 = arith.constant 2 : i32
      %mul3A_119 = arith.muli %mul3A_118, %scan3A_44 : i32
      %add3A_120 = arith.constant 1 : i32
      %add3A_121 = arith.addi %mul3A_119, %add3A_120 : i32
      %dma_wait3A_122 = arith.constant 0 : i32
      %dma_wait3A_123 = arith.constant 0 : i32
      %dma_wait3A_124 = tpu.memref_slice %arg3[%dma_wait3A_122, %dma_wait3A_123] : memref<100000x128xf32, #tpu.memory_space<hbm>> -> memref<200x128xf32, #tpu.memory_space<hbm>>
      %dma_wait3A_125 = arith.constant 0 : i32
      %dma_wait3A_126 = arith.constant 0 : i32
      %dma_wait3A_127 = tpu.memref_slice %arg3[%dma_wait3A_125, %dma_wait3A_126] : memref<100000x128xf32, #tpu.memory_space<hbm>> -> memref<200x128xf32, #tpu.memory_space<hbm>>
      tpu.wait_dma2 semaphore(%arg10 : memref<!tpu.dma_semaphore, #tpu.memory_space<semaphore_mem>>) src(%dma_wait3A_127 : memref<200x128xf32, #tpu.memory_space<hbm>>) dst(%arg7 : memref<200x128xf32, #tpu.memory_space<vmem>>)
      %broadcast_in_dim3A_128 = arith.constant 0.000000e+00 : f32
      %broadcast_in_dim3A_129 = vector.broadcast %broadcast_in_dim3A_128 : f32 to vector<16xf32>
      %broadcast_in_dim3A_130 = arith.constant 0.000000e+00 : f32
      %broadcast_in_dim3A_131 = vector.broadcast %broadcast_in_dim3A_130 : f32 to vector<16xf32>
      %broadcast_in_dim3A_132 = arith.constant 0.000000e+00 : f32
      %broadcast_in_dim3A_133 = vector.broadcast %broadcast_in_dim3A_132 : f32 to vector<16xf32>
      %broadcast_in_dim3A_134 = arith.constant 0.000000e+00 : f32
      %broadcast_in_dim3A_135 = vector.broadcast %broadcast_in_dim3A_134 : f32 to vector<16xf32>
      %broadcast_in_dim3A_136 = arith.constant 0.000000e+00 : f32
      %broadcast_in_dim3A_137 = vector.broadcast %broadcast_in_dim3A_136 : f32 to vector<16xf32>
      %broadcast_in_dim3A_138 = arith.constant 0.000000e+00 : f32
      %broadcast_in_dim3A_139 = vector.broadcast %broadcast_in_dim3A_138 : f32 to vector<16xf32>
      %broadcast_in_dim3A_140 = arith.constant 0.000000e+00 : f32
      %broadcast_in_dim3A_141 = vector.broadcast %broadcast_in_dim3A_140 : f32 to vector<16xf32>
      %broadcast_in_dim3A_142 = arith.constant 0.000000e+00 : f32
      %broadcast_in_dim3A_143 = vector.broadcast %broadcast_in_dim3A_142 : f32 to vector<16xf32>
      %scan3A_144 = arith.constant 0 : i32
      %scan3A_145 = arith.constant 50 : i32
      %scan3A_146 = arith.addi %scan3A_144, %scan3A_145 : i32
      %scan3A_147 = arith.constant 1 : i32
      %scan3A_148:8 = scf.for %scan3A_197 = %scan3A_144 to %scan3A_146 step %scan3A_147 iter_args(%scan3A_198 = %broadcast_in_dim3A_129, %scan3A_199 = %broadcast_in_dim3A_131, %scan3A_200 = %broadcast_in_dim3A_133, %scan3A_201 = %broadcast_in_dim3A_135, %scan3A_202 = %broadcast_in_dim3A_137, %scan3A_203 = %broadcast_in_dim3A_139, %scan3A_204 = %broadcast_in_dim3A_141, %scan3A_205 = %broadcast_in_dim3A_143) -> (vector<16xf32>, vector<16xf32>, vector<16xf32>, vector<16xf32>, vector<16xf32>, vector<16xf32>, vector<16xf32>, vector<16xf32>)  : i32 {
        %mul3A_206 = arith.constant 4 : i32
        %mul3A_207 = arith.muli %scan3A_197, %mul3A_206 : i32
        %add3A_208 = arith.constant 0 : i32
        %add3A_209 = arith.addi %mul3A_207, %add3A_208 : i32
        %get3A = arith.index_cast %add3A_209 : i32 to index
        %get3A_210 = arith.constant 0 : index
        %get3A_211 = tpu.vector_load %arg7[%get3A, %get3A_210] {strides = array<i32>} : memref<200x128xf32, #tpu.memory_space<vmem>>, vector<1x16xf32>,
        %get3A_212 = vector.shape_cast %get3A_211 : vector<1x16xf32> to vector<16xf32>
        %add3A_213 = arith.addf %scan3A_198, %get3A_212 : vector<16xf32>
        %add3A_214 = arith.constant 0 : i32
        %add3A_215 = arith.addi %mul3A_207, %add3A_214 : i32
        %get3A_216 = arith.index_cast %add3A_215 : i32 to index
        %get3A_217 = arith.constant 16 : index
        %get3A_218 = tpu.vector_load %arg7[%get3A_216, %get3A_217] {strides = array<i32>} : memref<200x128xf32, #tpu.memory_space<vmem>>, vector<1x16xf32>,
        %get3A_219 = vector.shape_cast %get3A_218 : vector<1x16xf32> to vector<16xf32>
        %add3A_220 = arith.addf %scan3A_199, %get3A_219 : vector<16xf32>
        %add3A_221 = arith.constant 0 : i32
        %add3A_222 = arith.addi %mul3A_207, %add3A_221 : i32
        %get3A_223 = arith.index_cast %add3A_222 : i32 to index
        %get3A_224 = arith.constant 32 : index
        %get3A_225 = tpu.vector_load %arg7[%get3A_223, %get3A_224] {strides = array<i32>} : memref<200x128xf32, #tpu.memory_space<vmem>>, vector<1x16xf32>,
        %get3A_226 = vector.shape_cast %get3A_225 : vector<1x16xf32> to vector<16xf32>
        %add3A_227 = arith.addf %scan3A_200, %get3A_226 : vector<16xf32>
        %add3A_228 = arith.constant 0 : i32
        %add3A_229 = arith.addi %mul3A_207, %add3A_228 : i32
        %get3A_230 = arith.index_cast %add3A_229 : i32 to index
        %get3A_231 = arith.constant 48 : index
        %get3A_232 = tpu.vector_load %arg7[%get3A_230, %get3A_231] {strides = array<i32>} : memref<200x128xf32, #tpu.memory_space<vmem>>, vector<1x16xf32>,
        %get3A_233 = vector.shape_cast %get3A_232 : vector<1x16xf32> to vector<16xf32>
        %add3A_234 = arith.addf %scan3A_201, %get3A_233 : vector<16xf32>
        %add3A_235 = arith.constant 0 : i32
        %add3A_236 = arith.addi %mul3A_207, %add3A_235 : i32
        %get3A_237 = arith.index_cast %add3A_236 : i32 to index
        %get3A_238 = arith.constant 64 : index
        %get3A_239 = tpu.vector_load %arg7[%get3A_237, %get3A_238] {strides = array<i32>} : memref<200x128xf32, #tpu.memory_space<vmem>>, vector<1x16xf32>,
        %get3A_240 = vector.shape_cast %get3A_239 : vector<1x16xf32> to vector<16xf32>
        %add3A_241 = arith.addf %scan3A_202, %get3A_240 : vector<16xf32>
        %add3A_242 = arith.constant 0 : i32
        %add3A_243 = arith.addi %mul3A_207, %add3A_242 : i32
        %get3A_244 = arith.index_cast %add3A_243 : i32 to index
        %get3A_245 = arith.constant 80 : index
        %get3A_246 = tpu.vector_load %arg7[%get3A_244, %get3A_245] {strides = array<i32>} : memref<200x128xf32, #tpu.memory_space<vmem>>, vector<1x16xf32>,
        %get3A_247 = vector.shape_cast %get3A_246 : vector<1x16xf32> to vector<16xf32>
        %add3A_248 = arith.addf %scan3A_203, %get3A_247 : vector<16xf32>
        %add3A_249 = arith.constant 0 : i32
        %add3A_250 = arith.addi %mul3A_207, %add3A_249 : i32
        %get3A_251 = arith.index_cast %add3A_250 : i32 to index
        %get3A_252 = arith.constant 96 : index
        %get3A_253 = tpu.vector_load %arg7[%get3A_251, %get3A_252] {strides = array<i32>} : memref<200x128xf32, #tpu.memory_space<vmem>>, vector<1x16xf32>,
        %get3A_254 = vector.shape_cast %get3A_253 : vector<1x16xf32> to vector<16xf32>
        %add3A_255 = arith.addf %scan3A_204, %get3A_254 : vector<16xf32>
        %add3A_256 = arith.constant 0 : i32
        %add3A_257 = arith.addi %mul3A_207, %add3A_256 : i32
        %get3A_258 = arith.index_cast %add3A_257 : i32 to index
        %get3A_259 = arith.constant 112 : index
        %get3A_260 = tpu.vector_load %arg7[%get3A_258, %get3A_259] {strides = array<i32>} : memref<200x128xf32, #tpu.memory_space<vmem>>, vector<1x16xf32>,
        %get3A_261 = vector.shape_cast %get3A_260 : vector<1x16xf32> to vector<16xf32>
        %add3A_262 = arith.addf %scan3A_205, %get3A_261 : vector<16xf32>
        %add3A_263 = arith.constant 1 : i32
        %add3A_264 = arith.addi %mul3A_207, %add3A_263 : i32
        %get3A_265 = arith.index_cast %add3A_264 : i32 to index
        %get3A_266 = arith.constant 0 : index
        %get3A_267 = tpu.vector_load %arg7[%get3A_265, %get3A_266] {strides = array<i32>} : memref<200x128xf32, #tpu.memory_space<vmem>>, vector<1x16xf32>,
        %get3A_268 = vector.shape_cast %get3A_267 : vector<1x16xf32> to vector<16xf32>
        %add3A_269 = arith.addf %add3A_213, %get3A_268 : vector<16xf32>
        %add3A_270 = arith.constant 1 : i32
        %add3A_271 = arith.addi %mul3A_207, %add3A_270 : i32
        %get3A_272 = arith.index_cast %add3A_271 : i32 to index
        %get3A_273 = arith.constant 16 : index
        %get3A_274 = tpu.vector_load %arg7[%get3A_272, %get3A_273] {strides = array<i32>} : memref<200x128xf32, #tpu.memory_space<vmem>>, vector<1x16xf32>,
        %get3A_275 = vector.shape_cast %get3A_274 : vector<1x16xf32> to vector<16xf32>
        %add3A_276 = arith.addf %add3A_220, %get3A_275 : vector<16xf32>
        %add3A_277 = arith.constant 1 : i32
        %add3A_278 = arith.addi %mul3A_207, %add3A_277 : i32
        %get3A_279 = arith.index_cast %add3A_278 : i32 to index
        %get3A_280 = arith.constant 32 : index
        %get3A_281 = tpu.vector_load %arg7[%get3A_279, %get3A_280] {strides = array<i32>} : memref<200x128xf32, #tpu.memory_space<vmem>>, vector<1x16xf32>,
        %get3A_282 = vector.shape_cast %get3A_281 : vector<1x16xf32> to vector<16xf32>
        %add3A_283 = arith.addf %add3A_227, %get3A_282 : vector<16xf32>
        %add3A_284 = arith.constant 1 : i32
        %add3A_285 = arith.addi %mul3A_207, %add3A_284 : i32
        %get3A_286 = arith.index_cast %add3A_285 : i32 to index
        %get3A_287 = arith.constant 48 : index
        %get3A_288 = tpu.vector_load %arg7[%get3A_286, %get3A_287] {strides = array<i32>} : memref<200x128xf32, #tpu.memory_space<vmem>>, vector<1x16xf32>,
        %get3A_289 = vector.shape_cast %get3A_288 : vector<1x16xf32> to vector<16xf32>
        %add3A_290 = arith.addf %add3A_234, %get3A_289 : vector<16xf32>
        %add3A_291 = arith.constant 1 : i32
        %add3A_292 = arith.addi %mul3A_207, %add3A_291 : i32
        %get3A_293 = arith.index_cast %add3A_292 : i32 to index
        %get3A_294 = arith.constant 64 : index
        %get3A_295 = tpu.vector_load %arg7[%get3A_293, %get3A_294] {strides = array<i32>} : memref<200x128xf32, #tpu.memory_space<vmem>>, vector<1x16xf32>,
        %get3A_296 = vector.shape_cast %get3A_295 : vector<1x16xf32> to vector<16xf32>
        %add3A_297 = arith.addf %add3A_241, %get3A_296 : vector<16xf32>
        %add3A_298 = arith.constant 1 : i32
        %add3A_299 = arith.addi %mul3A_207, %add3A_298 : i32
        %get3A_300 = arith.index_cast %add3A_299 : i32 to index
        %get3A_301 = arith.constant 80 : index
        %get3A_302 = tpu.vector_load %arg7[%get3A_300, %get3A_301] {strides = array<i32>} : memref<200x128xf32, #tpu.memory_space<vmem>>, vector<1x16xf32>,
        %get3A_303 = vector.shape_cast %get3A_302 : vector<1x16xf32> to vector<16xf32>
        %add3A_304 = arith.addf %add3A_248, %get3A_303 : vector<16xf32>
        %add3A_305 = arith.constant 1 : i32
        %add3A_306 = arith.addi %mul3A_207, %add3A_305 : i32
        %get3A_307 = arith.index_cast %add3A_306 : i32 to index
        %get3A_308 = arith.constant 96 : index
        %get3A_309 = tpu.vector_load %arg7[%get3A_307, %get3A_308] {strides = array<i32>} : memref<200x128xf32, #tpu.memory_space<vmem>>, vector<1x16xf32>,
        %get3A_310 = vector.shape_cast %get3A_309 : vector<1x16xf32> to vector<16xf32>
        %add3A_311 = arith.addf %add3A_255, %get3A_310 : vector<16xf32>
        %add3A_312 = arith.constant 1 : i32
        %add3A_313 = arith.addi %mul3A_207, %add3A_312 : i32
        %get3A_314 = arith.index_cast %add3A_313 : i32 to index
        %get3A_315 = arith.constant 112 : index
        %get3A_316 = tpu.vector_load %arg7[%get3A_314, %get3A_315] {strides = array<i32>} : memref<200x128xf32, #tpu.memory_space<vmem>>, vector<1x16xf32>,
        %get3A_317 = vector.shape_cast %get3A_316 : vector<1x16xf32> to vector<16xf32>
        %add3A_318 = arith.addf %add3A_262, %get3A_317 : vector<16xf32>
        %add3A_319 = arith.constant 2 : i32
        %add3A_320 = arith.addi %mul3A_207, %add3A_319 : i32
        %get3A_321 = arith.index_cast %add3A_320 : i32 to index
        %get3A_322 = arith.constant 0 : index
        %get3A_323 = tpu.vector_load %arg7[%get3A_321, %get3A_322] {strides = array<i32>} : memref<200x128xf32, #tpu.memory_space<vmem>>, vector<1x16xf32>,
        %get3A_324 = vector.shape_cast %get3A_323 : vector<1x16xf32> to vector<16xf32>
        %add3A_325 = arith.addf %add3A_269, %get3A_324 : vector<16xf32>
        %add3A_326 = arith.constant 2 : i32
        %add3A_327 = arith.addi %mul3A_207, %add3A_326 : i32
        %get3A_328 = arith.index_cast %add3A_327 : i32 to index
        %get3A_329 = arith.constant 16 : index
        %get3A_330 = tpu.vector_load %arg7[%get3A_328, %get3A_329] {strides = array<i32>} : memref<200x128xf32, #tpu.memory_space<vmem>>, vector<1x16xf32>,
        %get3A_331 = vector.shape_cast %get3A_330 : vector<1x16xf32> to vector<16xf32>
        %add3A_332 = arith.addf %add3A_276, %get3A_331 : vector<16xf32>
        %add3A_333 = arith.constant 2 : i32
        %add3A_334 = arith.addi %mul3A_207, %add3A_333 : i32
        %get3A_335 = arith.index_cast %add3A_334 : i32 to index
        %get3A_336 = arith.constant 32 : index
        %get3A_337 = tpu.vector_load %arg7[%get3A_335, %get3A_336] {strides = array<i32>} : memref<200x128xf32, #tpu.memory_space<vmem>>, vector<1x16xf32>,
        %get3A_338 = vector.shape_cast %get3A_337 : vector<1x16xf32> to vector<16xf32>
        %add3A_339 = arith.addf %add3A_283, %get3A_338 : vector<16xf32>
        %add3A_340 = arith.constant 2 : i32
        %add3A_341 = arith.addi %mul3A_207, %add3A_340 : i32
        %get3A_342 = arith.index_cast %add3A_341 : i32 to index
        %get3A_343 = arith.constant 48 : index
        %get3A_344 = tpu.vector_load %arg7[%get3A_342, %get3A_343] {strides = array<i32>} : memref<200x128xf32, #tpu.memory_space<vmem>>, vector<1x16xf32>,
        %get3A_345 = vector.shape_cast %get3A_344 : vector<1x16xf32> to vector<16xf32>
        %add3A_346 = arith.addf %add3A_290, %get3A_345 : vector<16xf32>
        %add3A_347 = arith.constant 2 : i32
        %add3A_348 = arith.addi %mul3A_207, %add3A_347 : i32
        %get3A_349 = arith.index_cast %add3A_348 : i32 to index
        %get3A_350 = arith.constant 64 : index
        %get3A_351 = tpu.vector_load %arg7[%get3A_349, %get3A_350] {strides = array<i32>} : memref<200x128xf32, #tpu.memory_space<vmem>>, vector<1x16xf32>,
        %get3A_352 = vector.shape_cast %get3A_351 : vector<1x16xf32> to vector<16xf32>
        %add3A_353 = arith.addf %add3A_297, %get3A_352 : vector<16xf32>
        %add3A_354 = arith.constant 2 : i32
        %add3A_355 = arith.addi %mul3A_207, %add3A_354 : i32
        %get3A_356 = arith.index_cast %add3A_355 : i32 to index
        %get3A_357 = arith.constant 80 : index
        %get3A_358 = tpu.vector_load %arg7[%get3A_356, %get3A_357] {strides = array<i32>} : memref<200x128xf32, #tpu.memory_space<vmem>>, vector<1x16xf32>,
        %get3A_359 = vector.shape_cast %get3A_358 : vector<1x16xf32> to vector<16xf32>
        %add3A_360 = arith.addf %add3A_304, %get3A_359 : vector<16xf32>
        %add3A_361 = arith.constant 2 : i32
        %add3A_362 = arith.addi %mul3A_207, %add3A_361 : i32
        %get3A_363 = arith.index_cast %add3A_362 : i32 to index
        %get3A_364 = arith.constant 96 : index
        %get3A_365 = tpu.vector_load %arg7[%get3A_363, %get3A_364] {strides = array<i32>} : memref<200x128xf32, #tpu.memory_space<vmem>>, vector<1x16xf32>,
        %get3A_366 = vector.shape_cast %get3A_365 : vector<1x16xf32> to vector<16xf32>
        %add3A_367 = arith.addf %add3A_311, %get3A_366 : vector<16xf32>
        %add3A_368 = arith.constant 2 : i32
        %add3A_369 = arith.addi %mul3A_207, %add3A_368 : i32
        %get3A_370 = arith.index_cast %add3A_369 : i32 to index
        %get3A_371 = arith.constant 112 : index
        %get3A_372 = tpu.vector_load %arg7[%get3A_370, %get3A_371] {strides = array<i32>} : memref<200x128xf32, #tpu.memory_space<vmem>>, vector<1x16xf32>,
        %get3A_373 = vector.shape_cast %get3A_372 : vector<1x16xf32> to vector<16xf32>
        %add3A_374 = arith.addf %add3A_318, %get3A_373 : vector<16xf32>
        %add3A_375 = arith.constant 3 : i32
        %add3A_376 = arith.addi %mul3A_207, %add3A_375 : i32
        %get3A_377 = arith.index_cast %add3A_376 : i32 to index
        %get3A_378 = arith.constant 0 : index
        %get3A_379 = tpu.vector_load %arg7[%get3A_377, %get3A_378] {strides = array<i32>} : memref<200x128xf32, #tpu.memory_space<vmem>>, vector<1x16xf32>,
        %get3A_380 = vector.shape_cast %get3A_379 : vector<1x16xf32> to vector<16xf32>
        %add3A_381 = arith.addf %add3A_325, %get3A_380 : vector<16xf32>
        %add3A_382 = arith.constant 3 : i32
        %add3A_383 = arith.addi %mul3A_207, %add3A_382 : i32
        %get3A_384 = arith.index_cast %add3A_383 : i32 to index
        %get3A_385 = arith.constant 16 : index
        %get3A_386 = tpu.vector_load %arg7[%get3A_384, %get3A_385] {strides = array<i32>} : memref<200x128xf32, #tpu.memory_space<vmem>>, vector<1x16xf32>,
        %get3A_387 = vector.shape_cast %get3A_386 : vector<1x16xf32> to vector<16xf32>
        %add3A_388 = arith.addf %add3A_332, %get3A_387 : vector<16xf32>
        %add3A_389 = arith.constant 3 : i32
        %add3A_390 = arith.addi %mul3A_207, %add3A_389 : i32
        %get3A_391 = arith.index_cast %add3A_390 : i32 to index
        %get3A_392 = arith.constant 32 : index
        %get3A_393 = tpu.vector_load %arg7[%get3A_391, %get3A_392] {strides = array<i32>} : memref<200x128xf32, #tpu.memory_space<vmem>>, vector<1x16xf32>,
        %get3A_394 = vector.shape_cast %get3A_393 : vector<1x16xf32> to vector<16xf32>
        %add3A_395 = arith.addf %add3A_339, %get3A_394 : vector<16xf32>
        %add3A_396 = arith.constant 3 : i32
        %add3A_397 = arith.addi %mul3A_207, %add3A_396 : i32
        %get3A_398 = arith.index_cast %add3A_397 : i32 to index
        %get3A_399 = arith.constant 48 : index
        %get3A_400 = tpu.vector_load %arg7[%get3A_398, %get3A_399] {strides = array<i32>} : memref<200x128xf32, #tpu.memory_space<vmem>>, vector<1x16xf32>,
        %get3A_401 = vector.shape_cast %get3A_400 : vector<1x16xf32> to vector<16xf32>
        %add3A_402 = arith.addf %add3A_346, %get3A_401 : vector<16xf32>
        %add3A_403 = arith.constant 3 : i32
        %add3A_404 = arith.addi %mul3A_207, %add3A_403 : i32
        %get3A_405 = arith.index_cast %add3A_404 : i32 to index
        %get3A_406 = arith.constant 64 : index
        %get3A_407 = tpu.vector_load %arg7[%get3A_405, %get3A_406] {strides = array<i32>} : memref<200x128xf32, #tpu.memory_space<vmem>>, vector<1x16xf32>,
        %get3A_408 = vector.shape_cast %get3A_407 : vector<1x16xf32> to vector<16xf32>
        %add3A_409 = arith.addf %add3A_353, %get3A_408 : vector<16xf32>
        %add3A_410 = arith.constant 3 : i32
        %add3A_411 = arith.addi %mul3A_207, %add3A_410 : i32
        %get3A_412 = arith.index_cast %add3A_411 : i32 to index
        %get3A_413 = arith.constant 80 : index
        %get3A_414 = tpu.vector_load %arg7[%get3A_412, %get3A_413] {strides = array<i32>} : memref<200x128xf32, #tpu.memory_space<vmem>>, vector<1x16xf32>,
        %get3A_415 = vector.shape_cast %get3A_414 : vector<1x16xf32> to vector<16xf32>
        %add3A_416 = arith.addf %add3A_360, %get3A_415 : vector<16xf32>
        %add3A_417 = arith.constant 3 : i32
        %add3A_418 = arith.addi %mul3A_207, %add3A_417 : i32
        %get3A_419 = arith.index_cast %add3A_418 : i32 to index
        %get3A_420 = arith.constant 96 : index
        %get3A_421 = tpu.vector_load %arg7[%get3A_419, %get3A_420] {strides = array<i32>} : memref<200x128xf32, #tpu.memory_space<vmem>>, vector<1x16xf32>,
        %get3A_422 = vector.shape_cast %get3A_421 : vector<1x16xf32> to vector<16xf32>
        %add3A_423 = arith.addf %add3A_367, %get3A_422 : vector<16xf32>
        %add3A_424 = arith.constant 3 : i32
        %add3A_425 = arith.addi %mul3A_207, %add3A_424 : i32
        %get3A_426 = arith.index_cast %add3A_425 : i32 to index
        %get3A_427 = arith.constant 112 : index
        %get3A_428 = tpu.vector_load %arg7[%get3A_426, %get3A_427] {strides = array<i32>} : memref<200x128xf32, #tpu.memory_space<vmem>>, vector<1x16xf32>,
        %get3A_429 = vector.shape_cast %get3A_428 : vector<1x16xf32> to vector<16xf32>
        %add3A_430 = arith.addf %add3A_374, %get3A_429 : vector<16xf32>
        scf.yield %add3A_381, %add3A_388, %add3A_395, %add3A_402, %add3A_409, %add3A_416, %add3A_423, %add3A_430 : vector<16xf32>, vector<16xf32>, vector<16xf32>, vector<16xf32>, vector<16xf32>, vector<16xf32>, vector<16xf32>, vector<16xf32>
      }
      %scan3A_149 = arith.constant 50 : i32
      %swap3A_150 = arith.index_cast %add3A_121 : i32 to index
      %swap3A_151 = arith.constant 0 : index
      %swap3A_152 = tpu.vector_load %arg8[%swap3A_150, %swap3A_151] {strides = array<i32>} : memref<128x128xf32, #tpu.memory_space<vmem>>, vector<1x16xf32>,
      %swap3A_153 = vector.shape_cast %swap3A_152 : vector<1x16xf32> to vector<16xf32>
      %swap3A_154 = vector.shape_cast %scan3A_148#0 : vector<16xf32> to vector<1x16xf32>
      tpu.vector_store %arg8[%swap3A_150, %swap3A_151], %swap3A_154 {strides = array<i32>} : memref<128x128xf32, #tpu.memory_space<vmem>>, vector<1x16xf32>,
      %swap3A_155 = arith.index_cast %add3A_121 : i32 to index
      %swap3A_156 = arith.constant 16 : index
      %swap3A_157 = tpu.vector_load %arg8[%swap3A_155, %swap3A_156] {strides = array<i32>} : memref<128x128xf32, #tpu.memory_space<vmem>>, vector<1x16xf32>,
      %swap3A_158 = vector.shape_cast %swap3A_157 : vector<1x16xf32> to vector<16xf32>
      %swap3A_159 = vector.shape_cast %scan3A_148#1 : vector<16xf32> to vector<1x16xf32>
      tpu.vector_store %arg8[%swap3A_155, %swap3A_156], %swap3A_159 {strides = array<i32>} : memref<128x128xf32, #tpu.memory_space<vmem>>, vector<1x16xf32>,
      %swap3A_160 = arith.index_cast %add3A_121 : i32 to index
      %swap3A_161 = arith.constant 32 : index
      %swap3A_162 = tpu.vector_load %arg8[%swap3A_160, %swap3A_161] {strides = array<i32>} : memref<128x128xf32, #tpu.memory_space<vmem>>, vector<1x16xf32>,
      %swap3A_163 = vector.shape_cast %swap3A_162 : vector<1x16xf32> to vector<16xf32>
      %swap3A_164 = vector.shape_cast %scan3A_148#2 : vector<16xf32> to vector<1x16xf32>
      tpu.vector_store %arg8[%swap3A_160, %swap3A_161], %swap3A_164 {strides = array<i32>} : memref<128x128xf32, #tpu.memory_space<vmem>>, vector<1x16xf32>,
      %swap3A_165 = arith.index_cast %add3A_121 : i32 to index
      %swap3A_166 = arith.constant 48 : index
      %swap3A_167 = tpu.vector_load %arg8[%swap3A_165, %swap3A_166] {strides = array<i32>} : memref<128x128xf32, #tpu.memory_space<vmem>>, vector<1x16xf32>,
      %swap3A_168 = vector.shape_cast %swap3A_167 : vector<1x16xf32> to vector<16xf32>
      %swap3A_169 = vector.shape_cast %scan3A_148#3 : vector<16xf32> to vector<1x16xf32>
      tpu.vector_store %arg8[%swap3A_165, %swap3A_166], %swap3A_169 {strides = array<i32>} : memref<128x128xf32, #tpu.memory_space<vmem>>, vector<1x16xf32>,
      %swap3A_170 = arith.index_cast %add3A_121 : i32 to index
      %swap3A_171 = arith.constant 64 : index
      %swap3A_172 = tpu.vector_load %arg8[%swap3A_170, %swap3A_171] {strides = array<i32>} : memref<128x128xf32, #tpu.memory_space<vmem>>, vector<1x16xf32>,
      %swap3A_173 = vector.shape_cast %swap3A_172 : vector<1x16xf32> to vector<16xf32>
      %swap3A_174 = vector.shape_cast %scan3A_148#4 : vector<16xf32> to vector<1x16xf32>
      tpu.vector_store %arg8[%swap3A_170, %swap3A_171], %swap3A_174 {strides = array<i32>} : memref<128x128xf32, #tpu.memory_space<vmem>>, vector<1x16xf32>,
      %swap3A_175 = arith.index_cast %add3A_121 : i32 to index
      %swap3A_176 = arith.constant 80 : index
      %swap3A_177 = tpu.vector_load %arg8[%swap3A_175, %swap3A_176] {strides = array<i32>} : memref<128x128xf32, #tpu.memory_space<vmem>>, vector<1x16xf32>,
      %swap3A_178 = vector.shape_cast %swap3A_177 : vector<1x16xf32> to vector<16xf32>
      %swap3A_179 = vector.shape_cast %scan3A_148#5 : vector<16xf32> to vector<1x16xf32>
      tpu.vector_store %arg8[%swap3A_175, %swap3A_176], %swap3A_179 {strides = array<i32>} : memref<128x128xf32, #tpu.memory_space<vmem>>, vector<1x16xf32>,
      %swap3A_180 = arith.index_cast %add3A_121 : i32 to index
      %swap3A_181 = arith.constant 96 : index
      %swap3A_182 = tpu.vector_load %arg8[%swap3A_180, %swap3A_181] {strides = array<i32>} : memref<128x128xf32, #tpu.memory_space<vmem>>, vector<1x16xf32>,
      %swap3A_183 = vector.shape_cast %swap3A_182 : vector<1x16xf32> to vector<16xf32>
      %swap3A_184 = vector.shape_cast %scan3A_148#6 : vector<16xf32> to vector<1x16xf32>
      tpu.vector_store %arg8[%swap3A_180, %swap3A_181], %swap3A_184 {strides = array<i32>} : memref<128x128xf32, #tpu.memory_space<vmem>>, vector<1x16xf32>,
      %swap3A_185 = arith.index_cast %add3A_121 : i32 to index
      %swap3A_186 = arith.constant 112 : index
      %swap3A_187 = tpu.vector_load %arg8[%swap3A_185, %swap3A_186] {strides = array<i32>} : memref<128x128xf32, #tpu.memory_space<vmem>>, vector<1x16xf32>,
      %swap3A_188 = vector.shape_cast %swap3A_187 : vector<1x16xf32> to vector<16xf32>
      %swap3A_189 = vector.shape_cast %scan3A_148#7 : vector<16xf32> to vector<1x16xf32>
      tpu.vector_store %arg8[%swap3A_185, %swap3A_186], %swap3A_189 {strides = array<i32>} : memref<128x128xf32, #tpu.memory_space<vmem>>, vector<1x16xf32>,
      %add3A_190 = arith.constant 2 : i32
      %add3A_191 = arith.addi %add3A_121, %add3A_190 : i32
      %lt3A_192 = arith.constant 128 : i32
      %lt3A_193 = arith.cmpi slt, %add3A_191, %lt3A_192 : i32
      %convert_element_type3A_194 = arith.extui %lt3A_193 : i1 to i32
      %cond3A_195 = arith.constant 0 : i32
      %cond3A_196 = arith.cmpi ne, %convert_element_type3A_194, %cond3A_195 : i32
      scf.if %cond3A_196 {
        %add3A_197 = arith.constant 2 : i32
        %add3A_198 = arith.addi %add3A_121, %add3A_197 : i32
        %mul3A_199 = arith.constant 200 : i32
        %mul3A_200 = arith.muli %add3A_198, %mul3A_199 : i32
        %multiple_of3A_201 = tpu.assume_multiple %mul3A_200, 8 : i32
        %dma_start3A_202 = arith.constant 0 : i32
        %dma_start3A_203 = arith.constant 0 : i32
        %dma_start3A_204 = tpu.memref_slice %arg7[%dma_start3A_202, %dma_start3A_203] : memref<200x128xf32, #tpu.memory_space<vmem>> -> memref<104x128xf32, #tpu.memory_space<vmem>>
        %dma_start3A_205 = tpu.memref_slice %arg5[%multiple_of3A_201] : memref<25600xi32, #tpu.memory_space<vmem>> -> memref<104xi32, #tpu.memory_space<vmem>>
        %dma_start3A_206 = arith.constant 0 : i32
        %dma_start3A_207 = arith.constant 0 : i32
        %dma_start3A_208 = tpu.memref_slice %arg3[%dma_start3A_206, %dma_start3A_207] : memref<100000x128xf32, #tpu.memory_space<hbm>> -> memref<100000x128xf32, #tpu.memory_space<hbm>>
        tpu.enqueue_indirect_dma source(%dma_start3A_208 : memref<100000x128xf32, #tpu.memory_space<hbm>>) target(%dma_start3A_204 : memref<104x128xf32, #tpu.memory_space<vmem>>) offsets(%dma_start3A_205 : memref<104xi32, #tpu.memory_space<vmem>>) semaphore(%arg10 : memref<!tpu.dma_semaphore, #tpu.memory_space<semaphore_mem>>)
        %add3A_209 = arith.constant 104 : i32
        %add3A_210 = arith.addi %multiple_of3A_201, %add3A_209 : i32
        %dma_start3A_211 = arith.constant 104 : i32
        %dma_start3A_212 = arith.constant 0 : i32
        %dma_start3A_213 = tpu.memref_slice %arg7[%dma_start3A_211, %dma_start3A_212] : memref<200x128xf32, #tpu.memory_space<vmem>> -> memref<96x128xf32, #tpu.memory_space<vmem>>
        %dma_start3A_214 = tpu.memref_slice %arg5[%add3A_210] : memref<25600xi32, #tpu.memory_space<vmem>> -> memref<96xi32, #tpu.memory_space<vmem>>
        %dma_start3A_215 = arith.constant 0 : i32
        %dma_start3A_216 = arith.constant 0 : i32
        %dma_start3A_217 = tpu.memref_slice %arg3[%dma_start3A_215, %dma_start3A_216] : memref<100000x128xf32, #tpu.memory_space<hbm>> -> memref<100000x128xf32, #tpu.memory_space<hbm>>
        tpu.enqueue_indirect_dma source(%dma_start3A_217 : memref<100000x128xf32, #tpu.memory_space<hbm>>) target(%dma_start3A_213 : memref<96x128xf32, #tpu.memory_space<vmem>>) offsets(%dma_start3A_214 : memref<96xi32, #tpu.memory_space<vmem>>) semaphore(%arg10 : memref<!tpu.dma_semaphore, #tpu.memory_space<semaphore_mem>>)
      } else {
      }
    }
    %scan3A_43 = arith.constant 64 : i32
    "tpu.region"() ({
      %run_scoped3A = tpu.sem_alloc : memref<!tpu.dma_semaphore, #tpu.memory_space<semaphore_mem>>
      %dma_start3A_44 = arith.constant 0 : i32
      %dma_start3A_45 = tpu.memref_slice %arg4[%mul3A_2, %dma_start3A_44] : memref<4096x128xf32, #tpu.memory_space<hbm>> -> memref<128x128xf32, #tpu.memory_space<hbm>>
      %dma_start3A_46 = arith.constant 0 : i32
      %dma_start3A_47 = tpu.memref_slice %arg4[%mul3A_2, %dma_start3A_46] : memref<4096x128xf32, #tpu.memory_space<hbm>> -> memref<128x128xf32, #tpu.memory_space<hbm>>
      tpu.enqueue_dma source(%arg8 : memref<128x128xf32, #tpu.memory_space<vmem>>) target(%dma_start3A_47 : memref<128x128xf32, #tpu.memory_space<hbm>>) target_semaphore(%run_scoped3A : memref<!tpu.dma_semaphore, #tpu.memory_space<semaphore_mem>>)
      %dma_wait3A = arith.constant 0 : i32
      %dma_wait3A_48 = tpu.memref_slice %arg4[%mul3A_2, %dma_wait3A] : memref<4096x128xf32, #tpu.memory_space<hbm>> -> memref<128x128xf32, #tpu.memory_space<hbm>>
      %dma_wait3A_49 = arith.constant 0 : i32
      %dma_wait3A_50 = tpu.memref_slice %arg4[%mul3A_2, %dma_wait3A_49] : memref<4096x128xf32, #tpu.memory_space<hbm>> -> memref<128x128xf32, #tpu.memory_space<hbm>>
      tpu.wait_dma2 semaphore(%run_scoped3A : memref<!tpu.dma_semaphore, #tpu.memory_space<semaphore_mem>>) src(%arg8 : memref<128x128xf32, #tpu.memory_space<vmem>>) dst(%dma_wait3A_50 : memref<128x128xf32, #tpu.memory_space<hbm>>)
      tpu.yield
    }) : () -> ()
    return
  }
}

module attributes {stable_mosaic.version = 14 : i64} {
  func.func @_mlp_body(%arg0: memref<4096x128xf32, #tpu.memory_space<vmem>>, %arg1: memref<256x128xf32, #tpu.memory_space<vmem>>, %arg2: memref<256xf32, #tpu.memory_space<vmem>>, %arg3: memref<256xf32, #tpu.memory_space<vmem>>, %arg4: memref<256xf32, #tpu.memory_space<vmem>>, %arg5: memref<16x256xf32, #tpu.memory_space<vmem>>, %arg6: memref<16xf32, #tpu.memory_space<vmem>>, %arg7: memref<4096x16xf32, #tpu.memory_space<vmem>>) attributes {dimension_semantics = [], scalar_prefetch = 0 : i64, scratch_operands = 0 : i64, tpu.core_type = #tpu.core_type<tc>} {
    %get3A = arith.constant 0 : index
    %get3A_0 = arith.constant 0 : index
    %get3A_1 = vector.load %arg0[%get3A, %get3A_0] : memref<4096x128xf32, #tpu.memory_space<vmem>>, vector<4096x128xf32>
    %mul3A = arith.constant 5.000000e-03 : f32
    %mul3A_2 = vector.broadcast %mul3A : f32 to vector<4096x128xf32>
    %mul3A_3 = arith.mulf %get3A_1, %mul3A_2 : vector<4096x128xf32>
    %get3A_4 = arith.constant 0 : index
    %get3A_5 = arith.constant 0 : index
    %get3A_6 = vector.load %arg1[%get3A_4, %get3A_5] : memref<256x128xf32, #tpu.memory_space<vmem>>, vector<256x128xf32>
    %dot_general3A = arith.constant dense<0.000000e+00> : vector<4096x256xf32>
    %dot_general3A_7 = tpu.matmul %mul3A_3, %get3A_6, %dot_general3A {dimension_numbers = #tpu.dot_dimension_numbers<[1], [1], [0], [0], [0, 0, 1, 0], [], []>, transpose_lhs_hint = false} : vector<4096x128xf32>, vector<256x128xf32>, vector<4096x256xf32> -> vector<4096x256xf32>
    %get3A_8 = arith.constant 0 : index
    %get3A_9 = vector.load %arg2[%get3A_8] : memref<256xf32, #tpu.memory_space<vmem>>, vector<256xf32>
    %broadcast_in_dim3A = vector.shape_cast %get3A_9 : vector<256xf32> to vector<1x256xf32>
    %add3A = vector.broadcast %broadcast_in_dim3A : vector<1x256xf32> to vector<4096x256xf32>
    %add3A_10 = arith.addf %dot_general3A_7, %add3A : vector<4096x256xf32>
    %reduce_sum3A = arith.constant dense<0.000000e+00> : vector<256xf32>
    %reduce_sum3A_11 = vector.multi_reduction <add>, %add3A_10, %reduce_sum3A [0] : vector<4096x256xf32> to vector<256xf32>
    %div3A = arith.constant 4.096000e+03 : f32
    %div3A_12 = vector.broadcast %div3A : f32 to vector<256xf32>
    %div3A_13 = arith.divf %reduce_sum3A_11, %div3A_12 : vector<256xf32>
    %broadcast_in_dim3A_14 = vector.shape_cast %div3A_13 : vector<256xf32> to vector<1x256xf32>
    %sub3A = vector.broadcast %broadcast_in_dim3A_14 : vector<1x256xf32> to vector<4096x256xf32>
    %sub3A_15 = arith.subf %add3A_10, %sub3A : vector<4096x256xf32>
    %square3A = arith.mulf %sub3A_15, %sub3A_15 : vector<4096x256xf32>
    %reduce_sum3A_16 = arith.constant dense<0.000000e+00> : vector<256xf32>
    %reduce_sum3A_17 = vector.multi_reduction <add>, %square3A, %reduce_sum3A_16 [0] : vector<4096x256xf32> to vector<256xf32>
    %div3A_18 = arith.constant 4.096000e+03 : f32
    %div3A_19 = vector.broadcast %div3A_18 : f32 to vector<256xf32>
    %div3A_20 = arith.divf %reduce_sum3A_17, %div3A_19 : vector<256xf32>
    %broadcast_in_dim3A_21 = vector.shape_cast %div3A_13 : vector<256xf32> to vector<1x256xf32>
    %sub3A_22 = vector.broadcast %broadcast_in_dim3A_21 : vector<1x256xf32> to vector<4096x256xf32>
    %sub3A_23 = arith.subf %add3A_10, %sub3A_22 : vector<4096x256xf32>
    %add3A_24 = arith.constant 9.99999974E-6 : f32
    %add3A_25 = vector.broadcast %add3A_24 : f32 to vector<256xf32>
    %add3A_26 = arith.addf %div3A_20, %add3A_25 : vector<256xf32>
    %rsqrt3A = math.rsqrt %add3A_26 : vector<256xf32>
    %broadcast_in_dim3A_27 = vector.shape_cast %rsqrt3A : vector<256xf32> to vector<1x256xf32>
    %mul3A_28 = vector.broadcast %broadcast_in_dim3A_27 : vector<1x256xf32> to vector<4096x256xf32>
    %mul3A_29 = arith.mulf %sub3A_23, %mul3A_28 : vector<4096x256xf32>
    %get3A_30 = arith.constant 0 : index
    %get3A_31 = vector.load %arg3[%get3A_30] : memref<256xf32, #tpu.memory_space<vmem>>, vector<256xf32>
    %broadcast_in_dim3A_32 = vector.shape_cast %get3A_31 : vector<256xf32> to vector<1x256xf32>
    %mul3A_33 = vector.broadcast %broadcast_in_dim3A_32 : vector<1x256xf32> to vector<4096x256xf32>
    %mul3A_34 = arith.mulf %mul3A_29, %mul3A_33 : vector<4096x256xf32>
    %get3A_35 = arith.constant 0 : index
    %get3A_36 = vector.load %arg4[%get3A_35] : memref<256xf32, #tpu.memory_space<vmem>>, vector<256xf32>
    %broadcast_in_dim3A_37 = vector.shape_cast %get3A_36 : vector<256xf32> to vector<1x256xf32>
    %add3A_38 = vector.broadcast %broadcast_in_dim3A_37 : vector<1x256xf32> to vector<4096x256xf32>
    %add3A_39 = arith.addf %mul3A_34, %add3A_38 : vector<4096x256xf32>
    %max3A = arith.constant 0.000000e+00 : f32
    %max3A_40 = vector.broadcast %max3A : f32 to vector<4096x256xf32>
    %max3A_41 = arith.maximumf %add3A_39, %max3A_40 : vector<4096x256xf32>
    %get3A_42 = arith.constant 0 : index
    %get3A_43 = arith.constant 0 : index
    %get3A_44 = vector.load %arg5[%get3A_42, %get3A_43] : memref<16x256xf32, #tpu.memory_space<vmem>>, vector<16x256xf32>
    %dot_general3A_45 = arith.constant dense<0.000000e+00> : vector<4096x16xf32>
    %dot_general3A_46 = tpu.matmul %max3A_41, %get3A_44, %dot_general3A_45 {dimension_numbers = #tpu.dot_dimension_numbers<[1], [1], [0], [0], [0, 0, 1, 0], [], []>, transpose_lhs_hint = false} : vector<4096x256xf32>, vector<16x256xf32>, vector<4096x16xf32> -> vector<4096x16xf32>
    %get3A_47 = arith.constant 0 : index
    %get3A_48 = vector.load %arg6[%get3A_47] : memref<16xf32, #tpu.memory_space<vmem>>, vector<16xf32>
    %broadcast_in_dim3A_49 = vector.shape_cast %get3A_48 : vector<16xf32> to vector<1x16xf32>
    %add3A_50 = vector.broadcast %broadcast_in_dim3A_49 : vector<1x16xf32> to vector<4096x16xf32>
    %add3A_51 = arith.addf %dot_general3A_46, %add3A_50 : vector<4096x16xf32>
    %swap3A = arith.constant 0 : index
    %swap3A_52 = arith.constant 0 : index
    %swap3A_53 = vector.load %arg7[%swap3A, %swap3A_52] : memref<4096x16xf32, #tpu.memory_space<vmem>>, vector<4096x16xf32>
    tpu.vector_store %arg7[%swap3A, %swap3A_52], %add3A_51 {strides = array<i32>} : memref<4096x16xf32, #tpu.memory_space<vmem>>, vector<4096x16xf32>,
    return
  }
}

</mosaic_0001>

<sc_bundles>
// kernel: kernel.4.cloned.1.call-start
scs
__scs_entry_jumppad:
0x0: {  	(pc) =	sbr.rel $0x88, $3  }
0x1: {  	(tag) =	ssettag $0x0;
	lr =	simm.s32 $0x1  }
0x2: {  	[smem:$0x3F99] =	sst lr;
	_ =	strace $0xD0000000  }
0x3: {  	_ = 	snop  }
0x4: {  	_ = 	snop  }
0x5: {  	_ = 	snop  }
0x6: {  	_ = 	snop  }
0x7: {  	_ = 	snop  }
__scs_overlays_trampoline_lowered:
0x8: {  	[smem:$0x3FA8] =	sst s0  }
0x9: {  	[smem:$0x3FA9] =	sst s1  }
0xa: {  	[smem:$0x3FAA] =	sst s2  }
0xb: {  	[smem:$0x3FAB] =	sst s3  }
0xc: {  	[smem:$0x3FAC] =	sst s4  }
0xd: {  	[smem:$0x3FAD] =	sst s5  }
0xe: {  	[smem:$0x3FAE] =	sst s6  }
0xf: {  	[smem:$0x3FAF] =	sst s7  }
0x10: {  	[smem:$0x3FB0] =	sst s8  }
0x11: {  	[smem:$0x3FB1] =	sst s9;
	s0 =	simm.s32 @!p0 $0x0  }
0x12: {  	s1 =	sld [smem:$0x3F97];
	s0 =	simm.s32 @p0 $0x1  }
0x13: {  	[smem:$0x3FB2] =	sst s0;
	s0 =	simm.s32 @!p1 $0x0  }
0x14: {  	s2 =	sld [smem:$0x3F96];
	s0 =	simm.s32 @p1 $0x1  }
0x15: {  	[smem:$0x3FB3] =	sst s0;
	s0 =	simm.s32 @!p2 $0x0  }
0x16: {  	s3 =	sld [smem:$0x3FDB];
	s0 =	simm.s32 @p2 $0x1  }
0x17: {  	s4 =	simm.s32 $0x1BF5;
	[smem:$0x3FB5] =	sst s0  }
0x18: {  	s0 =	sld [smem:$0x3F98];
	_ =	swait.ge [sflag:s4], $0x0  }
0x19: {  	s7 =	sld [smem:$0x3F99]  }
0x1a: {  	s8 =	sadd.s32 $0xFFFFE003, lr  }
0x1b: {  	s9 =	sadd.s32 $0xFFFFFEF7, lr;
	s5 =	simm.s32 $0xFFFFFFFF;
	p2 =	slt.u32 s8, $0xFFFFF086  }
0x1c: {  	p1 =	slt.u32 s9, $0xF7A;
	s5 =	simm.s32 @!p2 $0x0  }
0x1d: {  	s5 =	simm.s32 @p1 $0x1;
	p0 =	seq.s32 s7, s2  }
0x1e: {  	s7 =	smul.u32 @!p0 $0xF7A, s2;
	p2 =	seq.s32 @!p0 s5, $0x0  }
0x1f: {  	s9 =	smul.u32 $0xF7A, s1;
	s8 =	simm.s32 @!p0 $0x1BF5;
	p2 =	por !p2, p0  }
0x20: {  	[sflag:s8] =	ssyncset.s32 @!p0 $0xFFFFF086;
	s6 =	sadd.s32 @!p0 s3, s7;
	s7 =	simm.s32 @!p0 $0x108  }
0x21: {  	s3 =	sadd.s32 s3, s9;
	s6 =	sadd.s32 @!p0 $0x88, s6;
	s7 =	simm.s32 @p2 $0x1082  }
0x22: {  	[simem:s7], [sflag:s8] =	dma.local @!p0 [hbm:s6], $0xF7A  }
0x23: {  	s9 =	sor.u32 $0xD0000000, s2;
	s6 =	simm.s32 $0x108;
	_ =	swait.ge @!p0 [sflag:s8], $0x0  }
0x24: {  	s3 =	sadd.s32 $0x88, s3;
	s6 =	simm.s32 @!p1 $0x1082;
	[sflag:s4] =	ssyncset.s32 $0xFFFFF086  }
0x25: {  	[simem:s6], [sflag:s4] =	dma.local [hbm:s3], $0xF7A  }
0x26: {  	[smem:$0x3F99] =	sst s1;
	(tag) =	ssettag s2;
	_ =	strace s9  }
0x27: {  	s1 =	sld [smem:$0x3FA9]  }
0x28: {  	s2 =	sld [smem:$0x3FAA]  }
0x29: {  	s4 =	sld [smem:$0x3FAC]  }
0x2a: {  	p0 =	seq.s32 s5, $0x0;
	s5 =	sld [smem:$0x3FAD]  }
0x2b: {  	s6 =	sld [smem:$0x3FAE]  }
0x2c: {  	s7 =	sld [smem:$0x3FAF]  }
0x2d: {  	s3 =	simm.s32 $0x108;
	s8 =	sld [smem:$0x3FB0]  }
0x2e: {  	s3 =	simm.s32 @!p0 $0x1082;
	s9 =	sld [smem:$0x3FB1]  }
0x2f: {  	lr =	sadd.s32 s0, s3;
	s0 =	sld [smem:$0x3FA8]  }
0x30: {  	s3 =	sld [smem:$0x3FAB]  }
0x31: {  	[smem:$0x3FB4] =	sst s10  }
0x32: {  	s10 =	sld [smem:$0x3FB2];
	_ =	sdelay $0x3  }
0x33: {  	p0 =	seq.s32 s10, $0x1;
	s10 =	sld [smem:$0x3FB4];
	_ =	sdelay $0x3  }
0x34: {  	[smem:$0x3FB4] =	sst s10  }
0x35: {  	s10 =	sld [smem:$0x3FB3];
	_ =	sdelay $0x3  }
0x36: {  	p1 =	seq.s32 s10, $0x1;
	s10 =	sld [smem:$0x3FB4];
	_ =	sdelay $0x3  }
0x37: {  	[smem:$0x3FB4] =	sst s10  }
0x38: {  	s10 =	sld [smem:$0x3FB5]  }
0x39: {  	_ = 	snop;
	(pc) =	sbr.ind lr, $3  }
0x3a: {  	_ = 	snop  }
0x3b: {  	_ = 	snop  }
0x3c: {  	p2 =	seq.s32 s10, $0x1;
	s10 =	sld [smem:$0x3FB4]  }
0x3d: {  	_ =	shalt  }
0x3e: {  	_ =	shalt  }
0x3f: {  	_ =	shalt  }
0x40: {  	_ =	shalt  }
0x41: {  	_ =	shalt  }
0x42: {  	_ =	shalt  }
0x43: {  	_ =	shalt  }
0x44: {  	_ =	shalt  }
0x45: {  	_ =	shalt  }
0x46: {  	_ =	shalt  }
0x47: {  	_ =	shalt  }
0x48: {  	_ =	shalt  }
0x49: {  	_ =	shalt  }
0x4a: {  	_ =	shalt  }
0x4b: {  	_ =	shalt  }
0x4c: {  	_ =	shalt  }
0x4d: {  	_ =	shalt  }
0x4e: {  	_ =	shalt  }
0x4f: {  	_ =	shalt  }
0x50: {  	_ =	shalt  }
0x51: {  	_ =	shalt  }
0x52: {  	_ =	shalt  }
0x53: {  	_ =	shalt  }
0x54: {  	_ =	shalt  }
0x55: {  	_ =	shalt  }
0x56: {  	_ =	shalt  }
0x57: {  	_ =	shalt  }
0x58: {  	_ =	shalt  }
0x59: {  	_ =	shalt  }
0x5a: {  	_ =	shalt  }
0x5b: {  	_ =	shalt  }
0x5c: {  	_ =	shalt  }
0x5d: {  	_ =	shalt  }
0x5e: {  	_ =	shalt  }
0x5f: {  	_ =	shalt  }
0x60: {  	_ =	shalt  }
0x61: {  	_ =	shalt  }
0x62: {  	_ =	shalt  }
0x63: {  	_ =	shalt  }
0x64: {  	_ =	shalt  }
0x65: {  	_ =	shalt  }
0x66: {  	_ =	shalt  }
0x67: {  	_ =	shalt  }
0x68: {  	_ =	shalt  }
0x69: {  	_ =	shalt  }
0x6a: {  	_ =	shalt  }
0x6b: {  	_ =	shalt  }
0x6c: {  	_ =	shalt  }
0x6d: {  	_ =	shalt  }
0x6e: {  	_ =	shalt  }
0x6f: {  	_ =	shalt  }
0x70: {  	_ =	shalt  }
0x71: {  	_ =	shalt  }
0x72: {  	_ =	shalt  }
0x73: {  	_ =	shalt  }
0x74: {  	_ =	shalt  }
0x75: {  	_ =	shalt  }
0x76: {  	_ =	shalt  }
0x77: {  	_ =	shalt  }
0x78: {  	_ =	shalt  }
0x79: {  	_ =	shalt  }
0x7a: {  	_ =	shalt  }
0x7b: {  	_ =	shalt  }
0x7c: {  	_ =	shalt  }
0x7d: {  	_ =	shalt  }
0x7e: {  	_ =	shalt  }
0x7f: {  	_ =	shalt  }
0x80: {  	_ =	shalt  }
0x81: {  	_ =	shalt  }
0x82: {  	_ =	shalt  }
0x83: {  	_ =	shalt  }
0x84: {  	_ =	shalt  }
0x85: {  	_ =	shalt  }
0x86: {  	_ =	shalt  }
0x87: {  	_ =	shalt  }
.Lfunc_end0:
.L_simem_size_0:
called_computation_lowered:
.L_overlay_start_0:
0x88: {  	s2 =	sld [smem:$0x3FD9]  }
0x89: {  	s3 =	sld [smem:$0x3FFE];
	_ =	sdelay $0x1  }
0x8a: {  	s1 =	srdreg.scid  }
0x8b: {  	s0 =	sand.u32 $0x1, s1  }
0x8c: {  	s17 =	sshll.u32 s0, $0xA;
	s2 =	sadd.s32 s3, s2  }
0x8d: {  	s2 =	sadd.s32 s2, s17  }
0x8e: {  	[smem:$0x3FC0] =	sst s2  }
0x8f: {  	_ = 	snop  }
0x90: {  	s2 =	sld [smem:$0x3FC8];
	(tm) =	ssettm $0x1  }
0x91: {  	s18 =	sld [smem:$0x3FFB];
	_ =	sdelay $0x3  }
0x92: {  	_ =	strace s18  }
0x93: {  	s3 =	sld [smem:$0x3FFC];
	_ =	sdelay $0x3  }
0x94: {  	_ =	strace s3  }
0x95: {  	s3 =	sld [smem:$0x3FFD];
	_ =	sdelay $0x3  }
0x96: {  	_ =	strace s3  }
0x97: {  	_ =	strace $0x8FFFFFFF  }
0x98: {  	s19 =	sld [smem:$0x3FDB];
	_ =	sdelay $0x1  }
0x99: {  	s4 =	simm.s32 $_scs_section_size  }
0x9a: {  	s5 =	simm.s32 $_size__tile_overlayer_lowered;
	s6 =	simm.s32 $_tile_overlayer_lowered  }
0x9b: {  	s22 =	simm.s32 $0x1BFF;
	s21 =	sshll.u32 s6, $0x1;
	s3 =	sadd.s32 s4, s19  }
0x9c: {  	s7 =	simm.s32 $0x0;
	s20 =	sshll.u32 s5, $0x1;
	s5 =	sadd.s32 s21, s3  }
0x9d: {  	[timem:s7], [sflag:s22] =	dma.local [hbm:s5], s20  }
0x9e: {  	_ =	swait.ge [sflag:s22], s20  }
0x9f: {  	s4 =	ssub.s32 $0x0, s20;
	[sflag:s22] =	ssyncset.done $0x0  }
0xa0: {  	[sflag:s22] =	ssyncadd.s32 s4;
	_ =	sdelay $0x1  }
0xa1: {  	s23 =	simm.s32 $0x1B8B  }
0xa2: {  	_ =	swait.ge [sflag:s23], $0x1  }
0xa3: {  	[sflag:s23] =	ssyncset.done $0x0  }
0xa4: {  	s25 =	simm.s32 $0x1B8E;
	s24 =	sld [smem:$0x3FFE];
	[sflag:s23] =	ssyncadd.s32 $0xFFFFFFFF  }
0xa5: {  	s26 =	simm.s32 $execute0_lowered;
	[smem:$0x3FD2] =	sst s25  }
0xa6: {  	s5 =	sshll.u32 s26, $0x1;
	_ =	strace $0x80000046;
	[dreg:$0x1] =	wrdreg $0xFFFFFFFF  }
0xa7: {  	s28 =	simm.s32 $_size_execute0_lowered;
	s3 =	sadd.s32 s3, s5;
	[dreg:$0x0] =	wrdreg $0x0  }
0xa8: {  	s5 =	sshll.u32 s28, $0x1;
	[dreg:$0x2] =	wrdreg s3  }
0xa9: {  	[dreg:$0x3] =	wrdreg s5  }
0xaa: {  	[dreg:$0x4] =	wrdreg $0xC0  }
0xab: {  	_ =	task [dreg:s7], $0x5FFFF  }
0xac: {  	[dreg:$0x1] =	wrdreg $0xFFFFFFFF  }
0xad: {  	[dreg:$0x0] =	wrdreg $0x60  }
0xae: {  	[dreg:$0x2] =	wrdreg s24  }
0xaf: {  	[dreg:$0x3] =	wrdreg s2  }
0xb0: {  	[dreg:$0x4] =	wrdreg $0x9  }
0xb1: {  	_ =	task.clear_ibuf [dreg:s7], $0x5FFFF;
	_ =	strace $0x90000046  }
0xb2: {  	s29 =	simm.s32 $0x9;
	_ =	strace $0x80000048  }
0xb3: {  	_ =	swait.ge [sflag:s29], $0x1  }
0xb4: {  	[sflag:s29] =	ssyncadd.s32 $0xFFFFFFFF  }
0xb5: {  	_ =	strace $0x90000048  }
0xb6: {  	_ =	sfence  }
0xb7: {  	s30 =	sld [smem:$0x0];
	_ =	sdelay $0x2  }
0xb8: {  	s31 =	sshll.u32 s1, $0xD;
	s1 =	sshrl.u32 s1, $0x2  }
0xb9: {  	s3 =	sand.u32 $0x4000, s31;
	s1 =	sadd.s32 s1, s30  }
0xba: {  	s0 =	sor.u32 s3, s0;
	s1 =	sshll.u32 s1, $0x11  }
0xbb: {  	s0 =	sor.u32 s1, s0  }
0xbc: {  	s0 =	sadd.s32 $0x8F2B, s0  }
0xbd: {  	[sflag:s0] =	ssyncadd.remote.s32 $0x1  }
0xbe: {  	_ =	sfence.sel $0xFFFF  }
0xbf: {  	[dreg:$0x0] =	wrdreg $0xFFFFFFFF;
	(pc) =	sbr.abs _section_cstart, $3  }
0xc0: {  	[dreg:$0x1] =	wrdreg $0xFFFFFFFF  }
0xc1: {  	_ =	task.clear_ibuf [dreg:s7], $0x2FFFF;
	_ =	strace $0x9FFFFFFF  }
0xc2: {  	(tm) =	ssettm $0x7FFFFFFF  }
0xc3: {  	_ =	shalt  }
tec
execute0_lowered:
.L_overlay_start_1:
0x0: {  	(tag) =	ssettag $0x1  }
0x1: {  	s4 =	rddreg [dreg:$0x0];
	s1 =	srdreg.scid  }
0x2: {  	s0 =	stileid.u32;
	s2 =	rddreg [dreg:$0x1];
	s3 =	simm.s32 $0x0  }
0x3: {  	s9 =	simm.s32 $0x6400;
	s10 =	simm.s32 $0x60;
	s11 =	simm.s32 $0x9800  }
0x4: {  	s12 =	simm.s32 $0xC8;
	s13 =	simm.s32 $0xC800;
	s14 =	simm.s32 $0x130  }
0x5: {  	s15 =	simm.s32 $0xFC00;
	s16 =	simm.s32 $0x1;
	s17 =	simm.s32 $0x2  }
0x6: {  	s18 =	simm.s32 $0x12C00;
	s5 =	sand.u32 $0x1, s1;
	s1 =	rddreg [dreg:$0x2]  }
0x7: {  	s19 =	simm.s32 $0x0;
	s6 =	sshll.u32 s0, $0x1;
	[smem:$0x7FF] =	sst s3  }
.Ltmp0:
0x8: {  	s6 =	sor.u32 s5, s6;
	s5 =	ssub.s32 $0x2, s5;
	(pc) =	sbr.rel .LBB2_1-.Ltmp0, $4  }
0x9: {  	s7 =	smul.u32 $0xC80, s6;
	s6 =	sshll.u32 s6, $0xB;
	s8 =	sshrl.u32 s5, $0x1  }
0xa: {  	_ =	strace $0x80000047;
	s6 =	sadd.s32 s6, s4;
	s8 =	ssub.s32 s5, s8  }
0xb: {  	s7 =	sadd.s32 s7, s4;
	s5 =	sadd.s32 $0x1A200, s6;
	s6 =	smax.u32 s8, $0x1  }
0xc: {  	s8 =	simm.s32 $0x68;
	s4 =	sadd.s32 $0x1200, s7;
	s7 =	simm.s32 $0x3  }
.LBB2_8:
0xd: {  	s19 =	sadd.s32 $0x1, s19  }
0xe: {  	p0 =	sne.s32 s19, s6  }
.Ltmp1:
0xf: {  	_ = 	snop;
	(pc) =	sbr.rel @!p0 .LBB2_9-.Ltmp1, $4  }
0x10: {  	[hbm4b:s5+s3] =	stream.linear.scatter [tilespmem:s18], [sflag:$0x3], $0x4000, $0x38;
	[tilespmem:$0x16C00] =	vst v63  }
0x11: {  	_ =	swait.ge [sflag:s7], $0x4000  }
0x12: {  	[sflag:s7] =	ssyncset.done $0x0  }
0x13: {  	[sflag:s7] =	ssyncadd.s32 $0xFFFFC000  }
.LBB2_1:
0x14: {  	[tilespmem:s3], [sflag:$0x3] =	stream.linear.gather [hbm4b:s4+s3], $0x6400, $0x38;
	[tilespmem:$0x16C00] =	vst v63  }
0x15: {  	_ =	swait.ge [sflag:s7], $0x6400  }
0x16: {  	[sflag:s7] =	ssyncset.done $0x0  }
0x17: {  	[sflag:s7] =	ssyncadd.s32 $0xFFFF9C00  }
0x18: {  	[tilespmem:s9], [sflag:$0x1] =	stream.indirect.gather [hbm4b:s2+s8], $0x80, s3, s8, $0xb8;
	[tilespmem:$0x16C00] =	vst v63  }
0x19: {  	_ = 	snop  }
0x1a: {  	[tilespmem:s11], [sflag:$0x1] =	stream.indirect.gather [hbm4b:s2+s10], $0x80, s8, s10, $0xb8;
	[tilespmem:$0x16C00] =	vst v63  }
0x1b: {  	_ = 	snop  }
0x1c: {  	[tilespmem:s13], [sflag:$0x2] =	stream.indirect.gather [hbm4b:s2+s8], $0x80, s12, s8, $0xb8;
	[tilespmem:$0x16C00] =	vst v63  }
0x1d: {  	s20 =	simm.s32 $0x0  }
0x1e: {  	[tilespmem:s15], [sflag:$0x2] =	stream.indirect.gather [hbm4b:s2+s10], $0x80, s14, s10, $0xb8;
	[tilespmem:$0x16C00] =	vst v63  }
.LBB2_2:
0x1f: {  	_ =	swait.ge [sflag:s16], $0x6400  }
0x20: {  	[sflag:s16] =	ssyncset.done $0x0  }
0x21: {  	s21 =	simm.s32 $0x0;
	[sflag:s16] =	ssyncadd.s32 $0xFFFF9C00  }
0x22: {  	v3 =	vld [tilespmem:s21+$0x6580]  }
0x23: {  	v4 =	vld [tilespmem:s21+$0x6590]  }
0x24: {  	v5 =	vld [tilespmem:s21+$0x65A0]  }
0x25: {  	v6 =	vld [tilespmem:s21+$0x65B0]  }
0x26: {  	v0 =	vld [tilespmem:s21+$0x65C0]  }
0x27: {  	v1 =	vld [tilespmem:s21+$0x65D0]  }
0x28: {  	v13 =	vld [tilespmem:s21+$0x6500]  }
0x29: {  	v15 =	vld [tilespmem:s21+$0x6510]  }
0x2a: {  	v12 =	vld [tilespmem:s21+$0x6520]  }
0x2b: {  	v14 =	vld [tilespmem:s21+$0x6530]  }
0x2c: {  	v2 =	vld [tilespmem:s21+$0x6540]  }
0x2d: {  	v9 =	vld [tilespmem:s21+$0x6480]  }
0x2e: {  	v10 =	vld [tilespmem:s21+$0x6490]  }
0x2f: {  	v11 =	vld [tilespmem:s21+$0x6400]  }
0x30: {  	v17 =	vld [tilespmem:s21+$0x6410]  }
0x31: {  	v18 =	vld [tilespmem:s21+$0x6420]  }
0x32: {  	v19 =	vld [tilespmem:s21+$0x6430]  }
0x33: {  	v20 =	vld [tilespmem:s21+$0x64A0]  }
0x34: {  	v24 =	vld [tilespmem:s21+$0x64B0]  }
0x35: {  	v8 =	vimm.f32 $0.0e+00;
	v7 =	vld [tilespmem:s21+$0x6550]  }
0x36: {  	v16 =	vld [tilespmem:s21+$0x64C0];
	v11 =	vadd.f32 v11, v8;
	v22 =	vadd.f32 v17, v8  }
0x37: {  	v17 =	vld [tilespmem:s21+$0x64D0];
	v23 =	vadd.f32 v18, v8;
	v25 =	vadd.f32 v19, v8  }
0x38: {  	v18 =	vld [tilespmem:s21+$0x6440];
	v21 =	vadd.f32 v9, v11;
	v22 =	vadd.f32 v10, v22  }
0x39: {  	v19 =	vld [tilespmem:s21+$0x6450];
	v23 =	vadd.f32 v20, v23;
	v24 =	vadd.f32 v24, v25  }
0x3a: {  	s22 =	simm.s32 $0x800;
	v20 =	vld [tilespmem:s21+$0x6460];
	v11 =	vimm.f32 $0.0e+00;
	v10 =	vimm.f32 $0.0e+00;
	v9 =	vimm.f32 $0.0e+00  }
.LBB2_3:
0x3b: {  	p0 =	sne.s32 s22, $0x18800;
	v25 =	vld [tilespmem:s21+$0x6470];
	v13 =	vadd.f32 v13, v21;
	v15 =	vadd.f32 v15, v22  }
0x3c: {  	v21 =	vld [tilespmem:s21+$0x64E0];
	v12 =	vadd.f32 v12, v23;
	v14 =	vadd.f32 v14, v24  }
0x3d: {  	v22 =	vld [tilespmem:s21+$0x64F0];
	v23 =	vadd.f32 v3, v13;
	v24 =	vadd.f32 v4, v15  }
0x3e: {  	v13 =	vld [tilespmem:s21+$0x6560];
	v26 =	vadd.f32 v5, v12;
	v27 =	vadd.f32 v6, v14  }
0x3f: {  	v3 =	vadd.f32 v18, v8;
	v4 =	vadd.f32 v19, v11;
	v6 =	vld [tilespmem:s21+$0x6570]  }
0x40: {  	v5 =	vadd.f32 v20, v10;
	v8 =	vadd.f32 v25, v9;
	v9 =	vld [tilespmem:s21+$0x65E0]  }
0x41: {  	v10 =	vadd.f32 v16, v3;
	v11 =	vadd.f32 v17, v4;
	v12 =	vld [tilespmem:s21+$0x65F0];
	s21 =	sshra.s32 s22, $0x2  }
0x42: {  	v14 =	vadd.f32 v21, v5;
	v3 =	vld [tilespmem:s21+$0x6580];
	v8 =	vadd.f32 v22, v8  }
0x43: {  	v2 =	vadd.f32 v2, v10;
	v7 =	vadd.f32 v7, v11;
	v4 =	vld [tilespmem:s21+$0x6590]  }
0x44: {  	v10 =	vadd.f32 v13, v14;
	v5 =	vld [tilespmem:s21+$0x65A0];
	v13 =	vadd.f32 v6, v8  }
0x45: {  	v8 =	vadd.f32 v0, v2;
	v11 =	vadd.f32 v1, v7;
	v6 =	vld [tilespmem:s21+$0x65B0]  }
0x46: {  	v10 =	vadd.f32 v9, v10;
	v0 =	vld [tilespmem:s21+$0x65C0];
	v9 =	vadd.f32 v12, v13  }
0x47: {  	v1 =	vld [tilespmem:s21+$0x65D0]  }
0x48: {  	v13 =	vld [tilespmem:s21+$0x6500]  }
0x49: {  	v15 =	vld [tilespmem:s21+$0x6510]  }
0x4a: {  	v12 =	vld [tilespmem:s21+$0x6520]  }
0x4b: {  	v14 =	vld [tilespmem:s21+$0x6530]  }
0x4c: {  	v2 =	vld [tilespmem:s21+$0x6540]  }
0x4d: {  	v7 =	vld [tilespmem:s21+$0x6550]  }
0x4e: {  	v20 =	vld [tilespmem:s21+$0x6480]  }
0x4f: {  	v22 =	vld [tilespmem:s21+$0x6490]  }
0x50: {  	v17 =	vld [tilespmem:s21+$0x6400]  }
0x51: {  	v18 =	vld [tilespmem:s21+$0x6410]  }
0x52: {  	v19 =	vld [tilespmem:s21+$0x6420]  }
0x53: {  	v21 =	vld [tilespmem:s21+$0x6430]  }
0x54: {  	v25 =	vld [tilespmem:s21+$0x64A0]  }
0x55: {  	v28 =	vld [tilespmem:s21+$0x64B0]  }
.Ltmp2:
0x56: {  	v16 =	vld [tilespmem:s21+$0x64C0];
	(pc) =	sbr.rel @p0 .LBB2_3-.Ltmp2, $4  }
0x57: {  	v23 =	vadd.f32 v17, v23;
	v24 =	vadd.f32 v18, v24;
	v17 =	vld [tilespmem:s21+$0x64D0]  }
0x58: {  	v26 =	vadd.f32 v19, v26;
	v27 =	vadd.f32 v21, v27;
	v18 =	vld [tilespmem:s21+$0x6440]  }
0x59: {  	v21 =	vadd.f32 v20, v23;
	v22 =	vadd.f32 v22, v24;
	v19 =	vld [tilespmem:s21+$0x6450]  }
0x5a: {  	s22 =	sadd.s32 $0x800, s22;
	v23 =	vadd.f32 v25, v26;
	v20 =	vld [tilespmem:s21+$0x6460];
	v24 =	vadd.f32 v28, v27  }
0x5b: {  	v25 =	vld [tilespmem:s21+$0x6470];
	v13 =	vadd.f32 v13, v21;
	v15 =	vadd.f32 v15, v22  }
0x5c: {  	v21 =	vld [tilespmem:s21+$0x64E0];
	v12 =	vadd.f32 v12, v23;
	v14 =	vadd.f32 v14, v24  }
0x5d: {  	v22 =	vld [tilespmem:s21+$0x64F0];
	v3 =	vadd.f32 v3, v13;
	v4 =	vadd.f32 v4, v15  }
0x5e: {  	v13 =	vld [tilespmem:s21+$0x6560];
	v8 =	vadd.f32 v18, v8;
	v5 =	vadd.f32 v5, v12  }
0x5f: {  	v15 =	vld [tilespmem:s21+$0x65F0];
	v6 =	vadd.f32 v6, v14;
	v11 =	vadd.f32 v19, v11  }
0x60: {  	s22 =	sshll.u32 s20, $0x8;
	v12 =	vld [tilespmem:s21+$0x6570];
	v10 =	vadd.f32 v20, v10;
	v8 =	vadd.f32 v16, v8  }
0x61: {  	v14 =	vld [tilespmem:s21+$0x65E0];
	s21 =	sand.u32 $0x3FFFFF00, s22;
	v9 =	vadd.f32 v25, v9;
	v11 =	vadd.f32 v17, v11  }
0x62: {  	[tilespmem:s21+$0x12C00] =	vst v3;
	v10 =	vadd.f32 v21, v10;
	v2 =	vadd.f32 v2, v8  }
0x63: {  	[tilespmem:s21+$0x12C10] =	vst v4;
	v3 =	vadd.f32 v22, v9;
	v7 =	vadd.f32 v7, v11  }
0x64: {  	[tilespmem:s21+$0x12C20] =	vst v5;
	v4 =	vadd.f32 v13, v10;
	v0 =	vadd.f32 v0, v2  }
0x65: {  	p0 =	seq.s32 s20, $0x3F;
	[tilespmem:s21+$0x12C30] =	vst v6;
	v2 =	vadd.f32 v12, v3;
	v1 =	vadd.f32 v1, v7  }
0x66: {  	s22 =	smul.u32 @!p0 $0x640, s20;
	v3 =	vadd.f32 v14, v4;
	[tilespmem:s21+$0x12C40] =	vst v0  }
0x67: {  	v0 =	vadd.f32 v15, v2;
	[tilespmem:s21+$0x12C50] =	vst v1  }
0x68: {  	s22 =	sshra.s32 @!p0 s22, $0x2;
	[tilespmem:s21+$0x12C60] =	vst v3  }
0x69: {  	s24 =	simm.s32 @!p0 $0x68;
	s25 =	simm.s32 @!p0 $0x6400;
	s23 =	sadd.s32 @!p0 $0x190, s22;
	[tilespmem:s21+$0x12C70] =	vst v0  }
0x6a: {  	[tilespmem:s25], [sflag:$0x1] =	stream.indirect.gather @!p0 [hbm4b:s2+s24], $0x80, s23, s24, $0xb8;
	[tilespmem:$0x16C00] =	vst v63  }
0x6b: {  	s22 =	sadd.s32 @!p0 $0x1F8, s22;
	s23 =	simm.s32 @!p0 $0x60;
	s24 =	simm.s32 @!p0 $0x9800  }
0x6c: {  	[tilespmem:s24], [sflag:$0x1] =	stream.indirect.gather @!p0 [hbm4b:s2+s23], $0x80, s22, s23, $0xb8;
	[tilespmem:$0x16C00] =	vst v63  }
0x6d: {  	_ =	swait.ge [sflag:s17], $0x6400  }
0x6e: {  	[sflag:s17] =	ssyncset.done $0x0  }
0x6f: {  	s22 =	simm.s32 $0x0;
	[sflag:s17] =	ssyncadd.s32 $0xFFFF9C00  }
0x70: {  	v2 =	vld [tilespmem:s22+$0xC980]  }
0x71: {  	v4 =	vld [tilespmem:s22+$0xC990]  }
0x72: {  	v5 =	vld [tilespmem:s22+$0xC9A0]  }
0x73: {  	v6 =	vld [tilespmem:s22+$0xC9B0]  }
0x74: {  	v0 =	vld [tilespmem:s22+$0xC9C0]  }
0x75: {  	v1 =	vld [tilespmem:s22+$0xC9D0]  }
0x76: {  	v13 =	vld [tilespmem:s22+$0xC900]  }
0x77: {  	v15 =	vld [tilespmem:s22+$0xC910]  }
0x78: {  	v12 =	vld [tilespmem:s22+$0xC920]  }
0x79: {  	v14 =	vld [tilespmem:s22+$0xC930]  }
0x7a: {  	v3 =	vld [tilespmem:s22+$0xC940]  }
0x7b: {  	v9 =	vld [tilespmem:s22+$0xC880]  }
0x7c: {  	v10 =	vld [tilespmem:s22+$0xC890]  }
0x7d: {  	v11 =	vld [tilespmem:s22+$0xC800]  }
0x7e: {  	v17 =	vld [tilespmem:s22+$0xC810]  }
0x7f: {  	v18 =	vld [tilespmem:s22+$0xC820]  }
0x80: {  	v19 =	vld [tilespmem:s22+$0xC830]  }
0x81: {  	v20 =	vld [tilespmem:s22+$0xC8A0]  }
0x82: {  	v24 =	vld [tilespmem:s22+$0xC8B0]  }
0x83: {  	v8 =	vimm.f32 $0.0e+00;
	v7 =	vld [tilespmem:s22+$0xC950]  }
0x84: {  	v16 =	vld [tilespmem:s22+$0xC8C0];
	v11 =	vadd.f32 v11, v8;
	v22 =	vadd.f32 v17, v8  }
0x85: {  	v17 =	vld [tilespmem:s22+$0xC8D0];
	v23 =	vadd.f32 v18, v8;
	v25 =	vadd.f32 v19, v8  }
0x86: {  	v18 =	vld [tilespmem:s22+$0xC840];
	v21 =	vadd.f32 v9, v11;
	v22 =	vadd.f32 v10, v22  }
0x87: {  	v19 =	vld [tilespmem:s22+$0xC850];
	v23 =	vadd.f32 v20, v23;
	v24 =	vadd.f32 v24, v25  }
0x88: {  	s23 =	simm.s32 $0x800;
	v20 =	vld [tilespmem:s22+$0xC860];
	v11 =	vimm.f32 $0.0e+00;
	v10 =	vimm.f32 $0.0e+00;
	v9 =	vimm.f32 $0.0e+00  }
.LBB2_5:
0x89: {  	p1 =	sne.s32 s23, $0x18800;
	v25 =	vld [tilespmem:s22+$0xC870];
	v13 =	vadd.f32 v13, v21;
	v15 =	vadd.f32 v15, v22  }
0x8a: {  	v21 =	vld [tilespmem:s22+$0xC8E0];
	v12 =	vadd.f32 v12, v23;
	v14 =	vadd.f32 v14, v24  }
0x8b: {  	v22 =	vld [tilespmem:s22+$0xC8F0];
	v23 =	vadd.f32 v2, v13;
	v24 =	vadd.f32 v4, v15  }
0x8c: {  	v13 =	vld [tilespmem:s22+$0xC960];
	v26 =	vadd.f32 v5, v12;
	v27 =	vadd.f32 v6, v14  }
0x8d: {  	v2 =	vadd.f32 v18, v8;
	v4 =	vadd.f32 v19, v11;
	v6 =	vld [tilespmem:s22+$0xC970]  }
0x8e: {  	v5 =	vadd.f32 v20, v10;
	v8 =	vadd.f32 v25, v9;
	v9 =	vld [tilespmem:s22+$0xC9E0]  }
0x8f: {  	v10 =	vadd.f32 v16, v2;
	v11 =	vadd.f32 v17, v4;
	v12 =	vld [tilespmem:s22+$0xC9F0];
	s22 =	sshra.s32 s23, $0x2  }
0x90: {  	v14 =	vadd.f32 v21, v5;
	v2 =	vld [tilespmem:s22+$0xC980];
	v8 =	vadd.f32 v22, v8  }
0x91: {  	v3 =	vadd.f32 v3, v10;
	v7 =	vadd.f32 v7, v11;
	v4 =	vld [tilespmem:s22+$0xC990]  }
0x92: {  	v10 =	vadd.f32 v13, v14;
	v5 =	vld [tilespmem:s22+$0xC9A0];
	v13 =	vadd.f32 v6, v8  }
0x93: {  	v8 =	vadd.f32 v0, v3;
	v11 =	vadd.f32 v1, v7;
	v6 =	vld [tilespmem:s22+$0xC9B0]  }
0x94: {  	v10 =	vadd.f32 v9, v10;
	v0 =	vld [tilespmem:s22+$0xC9C0];
	v9 =	vadd.f32 v12, v13  }
0x95: {  	v1 =	vld [tilespmem:s22+$0xC9D0]  }
0x96: {  	v13 =	vld [tilespmem:s22+$0xC900]  }
0x97: {  	v15 =	vld [tilespmem:s22+$0xC910]  }
0x98: {  	v12 =	vld [tilespmem:s22+$0xC920]  }
0x99: {  	v14 =	vld [tilespmem:s22+$0xC930]  }
0x9a: {  	v3 =	vld [tilespmem:s22+$0xC940]  }
0x9b: {  	v7 =	vld [tilespmem:s22+$0xC950]  }
0x9c: {  	v20 =	vld [tilespmem:s22+$0xC880]  }
0x9d: {  	v22 =	vld [tilespmem:s22+$0xC890]  }
0x9e: {  	v17 =	vld [tilespmem:s22+$0xC800]  }
0x9f: {  	v18 =	vld [tilespmem:s22+$0xC810]  }
0xa0: {  	v19 =	vld [tilespmem:s22+$0xC820]  }
0xa1: {  	v21 =	vld [tilespmem:s22+$0xC830]  }
0xa2: {  	v25 =	vld [tilespmem:s22+$0xC8A0]  }
0xa3: {  	v28 =	vld [tilespmem:s22+$0xC8B0]  }
.Ltmp3:
0xa4: {  	v16 =	vld [tilespmem:s22+$0xC8C0];
	(pc) =	sbr.rel @p1 .LBB2_5-.Ltmp3, $4  }
0xa5: {  	v23 =	vadd.f32 v17, v23;
	v24 =	vadd.f32 v18, v24;
	v17 =	vld [tilespmem:s22+$0xC8D0]  }
0xa6: {  	v26 =	vadd.f32 v19, v26;
	v27 =	vadd.f32 v21, v27;
	v18 =	vld [tilespmem:s22+$0xC840]  }
0xa7: {  	v21 =	vadd.f32 v20, v23;
	v22 =	vadd.f32 v22, v24;
	v19 =	vld [tilespmem:s22+$0xC850]  }
0xa8: {  	s23 =	sadd.s32 $0x800, s23;
	v23 =	vadd.f32 v25, v26;
	v20 =	vld [tilespmem:s22+$0xC860];
	v24 =	vadd.f32 v28, v27  }
0xa9: {  	v13 =	vadd.f32 v13, v21;
	v15 =	vadd.f32 v15, v22  }
0xaa: {  	v25 =	vld [tilespmem:s22+$0xC870];
	v12 =	vadd.f32 v12, v23;
	v14 =	vadd.f32 v14, v24  }
0xab: {  	v54 =	vld [tilespmem:s22+$0xC8E0];
	v2 =	vadd.f32 v2, v13;
	v4 =	vadd.f32 v4, v15  }
0xac: {  	v55 =	vld [tilespmem:s22+$0xC8F0];
	v8 =	vadd.f32 v18, v8;
	v5 =	vadd.f32 v5, v12  }
0xad: {  	v56 =	vld [tilespmem:s22+$0xC960];
	v6 =	vadd.f32 v6, v14;
	v11 =	vadd.f32 v19, v11  }
0xae: {  	v57 =	vld [tilespmem:s22+$0xC970];
	v10 =	vadd.f32 v20, v10;
	v8 =	vadd.f32 v16, v8  }
0xaf: {  	v58 =	vld [tilespmem:s22+$0xC9E0];
	v9 =	vadd.f32 v25, v9;
	v11 =	vadd.f32 v17, v11  }
0xb0: {  	v59 =	vld [tilespmem:s22+$0xC9F0];
	[tilespmem:s21+$0x12C80] =	vst v2;
	v10 =	vadd.f32 v54, v10;
	v3 =	vadd.f32 v3, v8  }
0xb1: {  	[tilespmem:s21+$0x12C90] =	vst v4;
	v60 =	vadd.f32 v55, v9;
	v7 =	vadd.f32 v7, v11  }
0xb2: {  	[tilespmem:s21+$0x12CA0] =	vst v5;
	v61 =	vadd.f32 v56, v10;
	v0 =	vadd.f32 v0, v3  }
.Ltmp4:
0xb3: {  	[tilespmem:s21+$0x12CB0] =	vst v6;
	v2 =	vadd.f32 v57, v60;
	v1 =	vadd.f32 v1, v7;
	(pc) =	sbr.rel @p0 .LBB2_8-.Ltmp4, $4  }
0xb4: {  	v62 =	vadd.f32 v58, v61;
	[tilespmem:s21+$0x12CC0] =	vst v0  }
0xb5: {  	v63 =	vadd.f32 v59, v2;
	[tilespmem:s21+$0x12CD0] =	vst v1  }
0xb6: {  	[tilespmem:s21+$0x12CE0] =	vst v62  }
0xb7: {  	[tilespmem:s21+$0x12CF0] =	vst v63  }
0xb8: {  	s21 =	smul.u32 $0x640, s20;
	_ =	sdelay $0x1  }
.Ltmp5:
0xb9: {  	s21 =	sshra.s32 s21, $0x2;
	(pc) =	sbr.rel .LBB2_2-.Ltmp5, $4  }
0xba: {  	s22 =	sadd.s32 $0x258, s21  }
0xbb: {  	[tilespmem:s13], [sflag:$0x2] =	stream.indirect.gather [hbm4b:s2+s8], $0x80, s22, s8, $0xb8;
	[tilespmem:$0x16C00] =	vst v63  }
0xbc: {  	s20 =	sadd.s32 $0x1, s20;
	s21 =	sadd.s32 $0x2C0, s21  }
0xbd: {  	[tilespmem:s15], [sflag:$0x2] =	stream.indirect.gather [hbm4b:s2+s10], $0x80, s21, s10, $0xb8;
	[tilespmem:$0x16C00] =	vst v63  }
.LBB2_9:
0xbe: {  	_ =	sfence.sel $0x180000  }
0xbf: {  	[bflag:$0x0] =	sbarrier.arrive $0xFFFF  }
0xc0: {  	p0 =	sne.s32 s0, $0x0;
	_ =	strace $0x90000047  }
0xc1: {  	s0 =	sadd.s32 @!p0 $0x100000, s1;
	[bflag:$0x2] =	sbarrier.arrive $0xFFFF  }
0xc2: {  	[sflag:s0] =	ssyncadd.tile.s32 @!p0 $0x1;
	_ =	shalt  }
.Lfunc_end2:
_tile_overlayer_lowered:
.L_overlay_start_2:
0xc3: {  	(tag) =	ssettag $0x2  }
0xc4: {  	s0 =	rddreg [dreg:$0x0];
	s2 =	stileid.u32  }
0xc5: {  	s1 =	rddreg [dreg:$0x1];
	p0 =	sne.s32 s2, $0x0  }
0xc6: {  	s3 =	rddreg [dreg:$0x2];
	[bflag:$0x3] =	sbarrier.arrive $0xFFFF;
	s2 =	simm.s32 @!p0 $0x1C03  }
0xc7: {  	[timem:s3], [sflag:s2] =	dma.local @!p0 [hbm:s0], s1  }
0xc8: {  	s0 =	simm.s32 @!p0 $0x3  }
0xc9: {  	_ =	swait.ge @!p0 [sflag:s0], s1  }
0xca: {  	s1 =	ssub.s32 @!p0 $0x0, s1;
	[sflag:s0] =	ssyncset.done @!p0 $0x0  }
0xcb: {  	[sflag:s0] =	ssyncadd.s32 @!p0 s1  }
0xcc: {  	[bflag:$0x3] =	sbarrier.arrive $0xFFFF  }
0xcd: {  	_ =	shalt  }

</sc_bundles>
